<compile_context>
chip_gen: v7x
topology: tpu7x:2x2x1
jax: 0.10.2.dev20260603
libtpu: 0.0.44.dev20260713+nightly
codegen_flags: <defaults>
</compile_context>

<pallas_src>
import functools

import jax
import jax.numpy as jnp
from jax import lax
from jax.experimental import pallas as pl
from jax.experimental.pallas import tpu as pltpu
from jax.experimental.pallas import tpu_sc as plsc

EMBED_NUM = 1000
EMBED_DIM = 64
BATCH = 16384
HIST = 200

_NC = 2
_NS = 16
_NW = _NC * _NS
_BPW = BATCH // _NW
_GE = 2
_NG = _BPW // _GE
_NI = _NG // 4
_SPLITS = ((0, 128), (128, 72))


def _sc_gather(idx, table):
    mesh = plsc.VectorSubcoreMesh(core_axis_name="c", subcore_axis_name="s")

    @functools.partial(
        pl.kernel,
        mesh=mesh,
        compiler_params=pltpu.CompilerParams(use_tc_tiling_on_sc=False),
        out_type=jax.ShapeDtypeStruct((BATCH, HIST, EMBED_DIM), jnp.float32),
        scratch_types=[
            pltpu.VMEM((4, _GE, HIST), jnp.int32),
            pltpu.VMEM((4, _GE, HIST, EMBED_DIM), jnp.float32),
            pltpu.VMEM_SHARED((EMBED_NUM, EMBED_DIM), jnp.float32),
            pltpu.SemaphoreType.DMA,
            pltpu.SemaphoreType.DMA,
            pltpu.SemaphoreType.DMA,
            pltpu.SemaphoreType.DMA,
            pltpu.SemaphoreType.DMA,
            pltpu.SemaphoreType.DMA,
            pltpu.SemaphoreType.DMA,
            pltpu.SemaphoreType.DMA,
            pltpu.SemaphoreType.DMA,
            pltpu.SemaphoreType.DMA,
            pltpu.SemaphoreType.DMA,
            pltpu.SemaphoreType.DMA,
        ],
    )
    def k(idx_hbm, table_hbm, out_hbm, idx_v, rows_v, table_sp, *sems):
        sg = sems[0:4]
        sw = sems[4:8]
        si = sems[8:12]
        wid = lax.axis_index("s") * _NC + lax.axis_index("c")
        ebase = wid * _BPW

        @pl.when(lax.axis_index("s") == 0)
        def _():
            pltpu.sync_copy(table_hbm, table_sp)

        plsc.subcore_barrier()

        def elem0(g):
            return ebase + g * _GE

        def fire_gathers(g, s):
            for e in range(_GE):
                for off, ln in _SPLITS:
                    pltpu.async_copy(
                        table_sp.at[idx_v.at[s].at[e].at[pl.ds(off, ln)]],
                        rows_v.at[s].at[e].at[pl.ds(off, ln)],
                        sg[s],
                    )

        def drain_gathers(s):
            for e in range(_GE):
                pltpu.make_async_copy(
                    table_hbm.at[pl.ds(0, HIST)], rows_v.at[s].at[e], sg[s]
                ).wait()

        def fire_write(g, s):
            pltpu.async_copy(rows_v.at[s], out_hbm.at[pl.ds(elem0(g), _GE)], sw[s])

        def drain_write(s):
            pltpu.make_async_copy(
                out_hbm.at[pl.ds(0, _GE)], rows_v.at[s], sw[s]
            ).wait()

        def fire_idx(g, s):
            pltpu.async_copy(idx_hbm.at[pl.ds(elem0(g), _GE)], idx_v.at[s], si[s])

        def drain_idx(s):
            pltpu.make_async_copy(
                idx_hbm.at[pl.ds(0, _GE)], idx_v.at[s], si[s]
            ).wait()

        for s in range(3):
            pltpu.sync_copy(idx_hbm.at[pl.ds(elem0(s), _GE)], idx_v.at[s])
        fire_gathers(0, 0)
        fire_gathers(1, 1)

        def body(m, carry):
            g0 = 4 * m

            drain_gathers(0)
            fire_write(g0, 0)

            @pl.when(m >= 1)
            def _():
                drain_write(2)
                drain_idx(2)
                fire_gathers(g0 + 2, 2)

            @pl.when(m < 1)
            def _():
                fire_gathers(2, 2)

            fire_idx(g0 + 3, 3)

            drain_gathers(1)
            fire_write(g0 + 1, 1)

            @pl.when(m >= 1)
            def _():
                drain_write(3)

            drain_idx(3)
            fire_gathers(g0 + 3, 3)

            @pl.when(m < _NI - 1)
            def _():
                fire_idx(g0 + 4, 0)

            drain_gathers(2)
            fire_write(g0 + 2, 2)

            @pl.when(m < _NI - 1)
            def _():
                drain_write(0)
                drain_idx(0)
                fire_gathers(g0 + 4, 0)
                fire_idx(g0 + 5, 1)

            drain_gathers(3)
            fire_write(g0 + 3, 3)

            @pl.when(m < _NI - 1)
            def _():
                drain_write(1)
                drain_idx(1)
                fire_gathers(g0 + 5, 1)
                fire_idx(g0 + 6, 2)

            return carry

        lax.fori_loop(0, _NI, body, 0)

        for s in range(4):
            drain_write(s)

    return k(idx, table)


def kernel(visit_order, pos_embed_weight):
    return _sc_gather(visit_order.astype(jnp.int32), pos_embed_weight)

# --- scband reference (transcript-rebuilt; emitter-appended) ---
"""Pipeline reference for scband-positional-embedding-9457517986353 (READ-ONLY COPY).

The authoritative reference and input builder live on the scoring server;
editing this copy changes nothing except your own understanding.
"""

import jax, jax.numpy as jnp
import numpy as np

EMBED_NUM = 1000
EMBED_DIM = 64
BATCH = 16384
HIST = 200

def setup_inputs(seed: int = 0) -> dict:
    key = jax.random.key(seed)
    k1, k2 = jax.random.split(key)
    visit_order = jax.random.randint(k1, (BATCH, HIST), 0, EMBED_NUM, dtype=jnp.int64 if jax.config.jax_enable_x64 else jnp.int32)
    pos_embed_weight = jax.random.normal(k2, (EMBED_NUM, EMBED_DIM), dtype=jnp.float32)
    return {"visit_order": visit_order, "pos_embed_weight": pos_embed_weight}

def reference(visit_order, pos_embed_weight):
    # nn.Embedding lookup: table[idx]
    return jnp.take(pos_embed_weight, visit_order, axis=0)

if __name__ == "__main__":
    import jax
    _d = setup_inputs()
    print(jax.jit(kernel)(*tuple(_d.values())))

</pallas_src>

<mosaic_0001>
#map = affine_map<(d0, d1) -> (0, 0)>
#map1 = affine_map<(d0, d1) -> (0, 0, 0)>
module attributes {stable_mosaic.version = 14 : i64} {
  func.func @k(%arg0: i32, %arg1: i32, %arg2: memref<16384x200xi32, #tpu.memory_space<hbm>>, %arg3: memref<1000x64xf32, #tpu.memory_space<hbm>>, %arg4: memref<16384x200x64xf32, #tpu.memory_space<hbm>>, %arg5: memref<4x2x200xi32, #tpu.memory_space<vmem>>, %arg6: memref<4x2x200x64xf32, #tpu.memory_space<vmem>>, %arg7: memref<1000x64xf32, #tpu.memory_space<vmem_shared>>, %arg8: memref<!tpu.dma_semaphore, #tpu.memory_space<semaphore_mem>>, %arg9: memref<!tpu.dma_semaphore, #tpu.memory_space<semaphore_mem>>, %arg10: memref<!tpu.dma_semaphore, #tpu.memory_space<semaphore_mem>>, %arg11: memref<!tpu.dma_semaphore, #tpu.memory_space<semaphore_mem>>, %arg12: memref<!tpu.dma_semaphore, #tpu.memory_space<semaphore_mem>>, %arg13: memref<!tpu.dma_semaphore, #tpu.memory_space<semaphore_mem>>, %arg14: memref<!tpu.dma_semaphore, #tpu.memory_space<semaphore_mem>>, %arg15: memref<!tpu.dma_semaphore, #tpu.memory_space<semaphore_mem>>, %arg16: memref<!tpu.dma_semaphore, #tpu.memory_space<semaphore_mem>>, %arg17: memref<!tpu.dma_semaphore, #tpu.memory_space<semaphore_mem>>, %arg18: memref<!tpu.dma_semaphore, #tpu.memory_space<semaphore_mem>>, %arg19: memref<!tpu.dma_semaphore, #tpu.memory_space<semaphore_mem>>) attributes {dimension_semantics = [#tpu.dimension_semantics<core_parallel>, #tpu.dimension_semantics<subcore_parallel>], iteration_bounds = array<i64: 2, 16>, scalar_prefetch = 0 : i64, scratch_operands = 15 : i64, tpu.core_type = #tpu.core_type<sc_vector_subcore>, window_params = [{transform_indices = #map}, {transform_indices = #map}, {transform_indices = #map1}]} {
    %mul3A = arith.constant 2 : i32
    %mul3A_0 = arith.muli %arg1, %mul3A : i32
    %add3A = arith.addi %mul3A_0, %arg0 : i32
    %mul3A_1 = arith.constant 512 : i32
    %mul3A_2 = arith.muli %add3A, %mul3A_1 : i32
    %eq3A = arith.constant 0 : i32
    %eq3A_3 = arith.cmpi eq, %arg1, %eq3A : i32
    %convert_element_type3A = arith.extui %eq3A_3 : i1 to i32
    %cond3A = arith.constant 0 : i32
    %cond3A_4 = arith.cmpi ne, %convert_element_type3A, %cond3A : i32
    scf.if %cond3A_4 {
      "tpu.region"() ({
        %run_scoped3A_316 = tpu.sem_alloc : memref<!tpu.dma_semaphore, #tpu.memory_space<semaphore_mem>>
        tpu.enqueue_dma source(%arg3 : memref<1000x64xf32, #tpu.memory_space<hbm>>) target(%arg7 : memref<1000x64xf32, #tpu.memory_space<vmem_shared>>) target_semaphore(%run_scoped3A_316 : memref<!tpu.dma_semaphore, #tpu.memory_space<semaphore_mem>>)
        tpu.wait_dma2 semaphore(%run_scoped3A_316 : memref<!tpu.dma_semaphore, #tpu.memory_space<semaphore_mem>>) src(%arg3 : memref<1000x64xf32, #tpu.memory_space<hbm>>) dst(%arg7 : memref<1000x64xf32, #tpu.memory_space<vmem_shared>>)
        tpu.yield
      }) : () -> ()
    } else {
    }
    %barrier3A = arith.constant 0 : index
    tpu.barrier barrier_id(%barrier3A)
    %add3A_5 = arith.constant 0 : i32
    %add3A_6 = arith.addi %mul3A_2, %add3A_5 : i32
    %run_scoped3A = arith.constant 0 : i32
    "tpu.region"() ({
      %run_scoped3A_316 = tpu.sem_alloc : memref<!tpu.dma_semaphore, #tpu.memory_space<semaphore_mem>>
      %dma_start3A_317 = arith.constant 0 : i32
      %dma_start3A_318 = arith.constant 0 : i32
      %dma_start3A_319 = tpu.memref_slice %arg5[%run_scoped3A, %dma_start3A_317, %dma_start3A_318] : memref<4x2x200xi32, #tpu.memory_space<vmem>> -> memref<1x2x200xi32, #tpu.memory_space<vmem>>
      %dma_start3A_320 = tpu.memref_squeeze %dma_start3A_319 : memref<1x2x200xi32, #tpu.memory_space<vmem>> -> memref<2x200xi32, #tpu.memory_space<vmem>>
      %dma_start3A_321 = arith.constant 0 : i32
      %dma_start3A_322 = tpu.memref_slice %arg2[%add3A_6, %dma_start3A_321] : memref<16384x200xi32, #tpu.memory_space<hbm>> -> memref<2x200xi32, #tpu.memory_space<hbm>>
      %dma_start3A_323 = arith.constant 0 : i32
      %dma_start3A_324 = arith.constant 0 : i32
      %dma_start3A_325 = tpu.memref_slice %arg5[%run_scoped3A, %dma_start3A_323, %dma_start3A_324] : memref<4x2x200xi32, #tpu.memory_space<vmem>> -> memref<1x2x200xi32, #tpu.memory_space<vmem>>
      %dma_start3A_326 = tpu.memref_squeeze %dma_start3A_325 : memref<1x2x200xi32, #tpu.memory_space<vmem>> -> memref<2x200xi32, #tpu.memory_space<vmem>>
      %dma_start3A_327 = arith.constant 0 : i32
      %dma_start3A_328 = tpu.memref_slice %arg2[%add3A_6, %dma_start3A_327] : memref<16384x200xi32, #tpu.memory_space<hbm>> -> memref<2x200xi32, #tpu.memory_space<hbm>>
      tpu.enqueue_dma source(%dma_start3A_328 : memref<2x200xi32, #tpu.memory_space<hbm>>) target(%dma_start3A_326 : memref<2x200xi32, #tpu.memory_space<vmem>>) target_semaphore(%run_scoped3A_316 : memref<!tpu.dma_semaphore, #tpu.memory_space<semaphore_mem>>)
      %dma_wait3A_329 = arith.constant 0 : i32
      %dma_wait3A_330 = arith.constant 0 : i32
      %dma_wait3A_331 = tpu.memref_slice %arg5[%run_scoped3A, %dma_wait3A_329, %dma_wait3A_330] : memref<4x2x200xi32, #tpu.memory_space<vmem>> -> memref<1x2x200xi32, #tpu.memory_space<vmem>>
      %dma_wait3A_332 = tpu.memref_squeeze %dma_wait3A_331 : memref<1x2x200xi32, #tpu.memory_space<vmem>> -> memref<2x200xi32, #tpu.memory_space<vmem>>
      %dma_wait3A_333 = arith.constant 0 : i32
      %dma_wait3A_334 = tpu.memref_slice %arg2[%add3A_6, %dma_wait3A_333] : memref<16384x200xi32, #tpu.memory_space<hbm>> -> memref<2x200xi32, #tpu.memory_space<hbm>>
      %dma_wait3A_335 = arith.constant 0 : i32
      %dma_wait3A_336 = arith.constant 0 : i32
      %dma_wait3A_337 = tpu.memref_slice %arg5[%run_scoped3A, %dma_wait3A_335, %dma_wait3A_336] : memref<4x2x200xi32, #tpu.memory_space<vmem>> -> memref<1x2x200xi32, #tpu.memory_space<vmem>>
      %dma_wait3A_338 = tpu.memref_squeeze %dma_wait3A_337 : memref<1x2x200xi32, #tpu.memory_space<vmem>> -> memref<2x200xi32, #tpu.memory_space<vmem>>
      %dma_wait3A_339 = arith.constant 0 : i32
      %dma_wait3A_340 = tpu.memref_slice %arg2[%add3A_6, %dma_wait3A_339] : memref<16384x200xi32, #tpu.memory_space<hbm>> -> memref<2x200xi32, #tpu.memory_space<hbm>>
      tpu.wait_dma2 semaphore(%run_scoped3A_316 : memref<!tpu.dma_semaphore, #tpu.memory_space<semaphore_mem>>) src(%dma_wait3A_340 : memref<2x200xi32, #tpu.memory_space<hbm>>) dst(%dma_wait3A_338 : memref<2x200xi32, #tpu.memory_space<vmem>>)
      tpu.yield
    }) : () -> ()
    %add3A_7 = arith.constant 2 : i32
    %add3A_8 = arith.addi %mul3A_2, %add3A_7 : i32
    %run_scoped3A_9 = arith.constant 1 : i32
    "tpu.region"() ({
      %run_scoped3A_316 = tpu.sem_alloc : memref<!tpu.dma_semaphore, #tpu.memory_space<semaphore_mem>>
      %dma_start3A_317 = arith.constant 0 : i32
      %dma_start3A_318 = arith.constant 0 : i32
      %dma_start3A_319 = tpu.memref_slice %arg5[%run_scoped3A_9, %dma_start3A_317, %dma_start3A_318] : memref<4x2x200xi32, #tpu.memory_space<vmem>> -> memref<1x2x200xi32, #tpu.memory_space<vmem>>
      %dma_start3A_320 = tpu.memref_squeeze %dma_start3A_319 : memref<1x2x200xi32, #tpu.memory_space<vmem>> -> memref<2x200xi32, #tpu.memory_space<vmem>>
      %dma_start3A_321 = arith.constant 0 : i32
      %dma_start3A_322 = tpu.memref_slice %arg2[%add3A_8, %dma_start3A_321] : memref<16384x200xi32, #tpu.memory_space<hbm>> -> memref<2x200xi32, #tpu.memory_space<hbm>>
      %dma_start3A_323 = arith.constant 0 : i32
      %dma_start3A_324 = arith.constant 0 : i32
      %dma_start3A_325 = tpu.memref_slice %arg5[%run_scoped3A_9, %dma_start3A_323, %dma_start3A_324] : memref<4x2x200xi32, #tpu.memory_space<vmem>> -> memref<1x2x200xi32, #tpu.memory_space<vmem>>
      %dma_start3A_326 = tpu.memref_squeeze %dma_start3A_325 : memref<1x2x200xi32, #tpu.memory_space<vmem>> -> memref<2x200xi32, #tpu.memory_space<vmem>>
      %dma_start3A_327 = arith.constant 0 : i32
      %dma_start3A_328 = tpu.memref_slice %arg2[%add3A_8, %dma_start3A_327] : memref<16384x200xi32, #tpu.memory_space<hbm>> -> memref<2x200xi32, #tpu.memory_space<hbm>>
      tpu.enqueue_dma source(%dma_start3A_328 : memref<2x200xi32, #tpu.memory_space<hbm>>) target(%dma_start3A_326 : memref<2x200xi32, #tpu.memory_space<vmem>>) target_semaphore(%run_scoped3A_316 : memref<!tpu.dma_semaphore, #tpu.memory_space<semaphore_mem>>)
      %dma_wait3A_329 = arith.constant 0 : i32
      %dma_wait3A_330 = arith.constant 0 : i32
      %dma_wait3A_331 = tpu.memref_slice %arg5[%run_scoped3A_9, %dma_wait3A_329, %dma_wait3A_330] : memref<4x2x200xi32, #tpu.memory_space<vmem>> -> memref<1x2x200xi32, #tpu.memory_space<vmem>>
      %dma_wait3A_332 = tpu.memref_squeeze %dma_wait3A_331 : memref<1x2x200xi32, #tpu.memory_space<vmem>> -> memref<2x200xi32, #tpu.memory_space<vmem>>
      %dma_wait3A_333 = arith.constant 0 : i32
      %dma_wait3A_334 = tpu.memref_slice %arg2[%add3A_8, %dma_wait3A_333] : memref<16384x200xi32, #tpu.memory_space<hbm>> -> memref<2x200xi32, #tpu.memory_space<hbm>>
      %dma_wait3A_335 = arith.constant 0 : i32
      %dma_wait3A_336 = arith.constant 0 : i32
      %dma_wait3A_337 = tpu.memref_slice %arg5[%run_scoped3A_9, %dma_wait3A_335, %dma_wait3A_336] : memref<4x2x200xi32, #tpu.memory_space<vmem>> -> memref<1x2x200xi32, #tpu.memory_space<vmem>>
      %dma_wait3A_338 = tpu.memref_squeeze %dma_wait3A_337 : memref<1x2x200xi32, #tpu.memory_space<vmem>> -> memref<2x200xi32, #tpu.memory_space<vmem>>
      %dma_wait3A_339 = arith.constant 0 : i32
      %dma_wait3A_340 = tpu.memref_slice %arg2[%add3A_8, %dma_wait3A_339] : memref<16384x200xi32, #tpu.memory_space<hbm>> -> memref<2x200xi32, #tpu.memory_space<hbm>>
      tpu.wait_dma2 semaphore(%run_scoped3A_316 : memref<!tpu.dma_semaphore, #tpu.memory_space<semaphore_mem>>) src(%dma_wait3A_340 : memref<2x200xi32, #tpu.memory_space<hbm>>) dst(%dma_wait3A_338 : memref<2x200xi32, #tpu.memory_space<vmem>>)
      tpu.yield
    }) : () -> ()
    %add3A_10 = arith.constant 4 : i32
    %add3A_11 = arith.addi %mul3A_2, %add3A_10 : i32
    %run_scoped3A_12 = arith.constant 2 : i32
    "tpu.region"() ({
      %run_scoped3A_316 = tpu.sem_alloc : memref<!tpu.dma_semaphore, #tpu.memory_space<semaphore_mem>>
      %dma_start3A_317 = arith.constant 0 : i32
      %dma_start3A_318 = arith.constant 0 : i32
      %dma_start3A_319 = tpu.memref_slice %arg5[%run_scoped3A_12, %dma_start3A_317, %dma_start3A_318] : memref<4x2x200xi32, #tpu.memory_space<vmem>> -> memref<1x2x200xi32, #tpu.memory_space<vmem>>
      %dma_start3A_320 = tpu.memref_squeeze %dma_start3A_319 : memref<1x2x200xi32, #tpu.memory_space<vmem>> -> memref<2x200xi32, #tpu.memory_space<vmem>>
      %dma_start3A_321 = arith.constant 0 : i32
      %dma_start3A_322 = tpu.memref_slice %arg2[%add3A_11, %dma_start3A_321] : memref<16384x200xi32, #tpu.memory_space<hbm>> -> memref<2x200xi32, #tpu.memory_space<hbm>>
      %dma_start3A_323 = arith.constant 0 : i32
      %dma_start3A_324 = arith.constant 0 : i32
      %dma_start3A_325 = tpu.memref_slice %arg5[%run_scoped3A_12, %dma_start3A_323, %dma_start3A_324] : memref<4x2x200xi32, #tpu.memory_space<vmem>> -> memref<1x2x200xi32, #tpu.memory_space<vmem>>
      %dma_start3A_326 = tpu.memref_squeeze %dma_start3A_325 : memref<1x2x200xi32, #tpu.memory_space<vmem>> -> memref<2x200xi32, #tpu.memory_space<vmem>>
      %dma_start3A_327 = arith.constant 0 : i32
      %dma_start3A_328 = tpu.memref_slice %arg2[%add3A_11, %dma_start3A_327] : memref<16384x200xi32, #tpu.memory_space<hbm>> -> memref<2x200xi32, #tpu.memory_space<hbm>>
      tpu.enqueue_dma source(%dma_start3A_328 : memref<2x200xi32, #tpu.memory_space<hbm>>) target(%dma_start3A_326 : memref<2x200xi32, #tpu.memory_space<vmem>>) target_semaphore(%run_scoped3A_316 : memref<!tpu.dma_semaphore, #tpu.memory_space<semaphore_mem>>)
      %dma_wait3A_329 = arith.constant 0 : i32
      %dma_wait3A_330 = arith.constant 0 : i32
      %dma_wait3A_331 = tpu.memref_slice %arg5[%run_scoped3A_12, %dma_wait3A_329, %dma_wait3A_330] : memref<4x2x200xi32, #tpu.memory_space<vmem>> -> memref<1x2x200xi32, #tpu.memory_space<vmem>>
      %dma_wait3A_332 = tpu.memref_squeeze %dma_wait3A_331 : memref<1x2x200xi32, #tpu.memory_space<vmem>> -> memref<2x200xi32, #tpu.memory_space<vmem>>
      %dma_wait3A_333 = arith.constant 0 : i32
      %dma_wait3A_334 = tpu.memref_slice %arg2[%add3A_11, %dma_wait3A_333] : memref<16384x200xi32, #tpu.memory_space<hbm>> -> memref<2x200xi32, #tpu.memory_space<hbm>>
      %dma_wait3A_335 = arith.constant 0 : i32
      %dma_wait3A_336 = arith.constant 0 : i32
      %dma_wait3A_337 = tpu.memref_slice %arg5[%run_scoped3A_12, %dma_wait3A_335, %dma_wait3A_336] : memref<4x2x200xi32, #tpu.memory_space<vmem>> -> memref<1x2x200xi32, #tpu.memory_space<vmem>>
      %dma_wait3A_338 = tpu.memref_squeeze %dma_wait3A_337 : memref<1x2x200xi32, #tpu.memory_space<vmem>> -> memref<2x200xi32, #tpu.memory_space<vmem>>
      %dma_wait3A_339 = arith.constant 0 : i32
      %dma_wait3A_340 = tpu.memref_slice %arg2[%add3A_11, %dma_wait3A_339] : memref<16384x200xi32, #tpu.memory_space<hbm>> -> memref<2x200xi32, #tpu.memory_space<hbm>>
      tpu.wait_dma2 semaphore(%run_scoped3A_316 : memref<!tpu.dma_semaphore, #tpu.memory_space<semaphore_mem>>) src(%dma_wait3A_340 : memref<2x200xi32, #tpu.memory_space<hbm>>) dst(%dma_wait3A_338 : memref<2x200xi32, #tpu.memory_space<vmem>>)
      tpu.yield
    }) : () -> ()
    %dma_start3A = arith.constant 0 : i32
    %dma_start3A_13 = arith.constant 0 : i32
    %dma_start3A_14 = arith.constant 0 : i32
    %dma_start3A_15 = arith.constant 0 : i32
    %dma_start3A_16 = arith.constant 0 : i32
    %dma_start3A_17 = arith.constant 0 : i32
    %dma_start3A_18 = arith.constant 0 : i32
    %dma_start3A_19 = tpu.memref_slice %arg6[%dma_start3A_14, %dma_start3A_16, %dma_start3A_17, %dma_start3A_18] : memref<4x2x200x64xf32, #tpu.memory_space<vmem>> -> memref<1x2x200x64xf32, #tpu.memory_space<vmem>>
    %dma_start3A_20 = tpu.memref_squeeze %dma_start3A_19 : memref<1x2x200x64xf32, #tpu.memory_space<vmem>> -> memref<2x200x64xf32, #tpu.memory_space<vmem>>
    %dma_start3A_21 = arith.constant 0 : i32
    %dma_start3A_22 = arith.constant 0 : i32
    %dma_start3A_23 = tpu.memref_slice %dma_start3A_20[%dma_start3A_15, %dma_start3A_21, %dma_start3A_22] : memref<2x200x64xf32, #tpu.memory_space<vmem>> -> memref<1x200x64xf32, #tpu.memory_space<vmem>>
    %dma_start3A_24 = tpu.memref_squeeze %dma_start3A_23 : memref<1x200x64xf32, #tpu.memory_space<vmem>> -> memref<200x64xf32, #tpu.memory_space<vmem>>
    %dma_start3A_25 = arith.constant 0 : i32
    %dma_start3A_26 = arith.constant 0 : i32
    %dma_start3A_27 = tpu.memref_slice %dma_start3A_24[%dma_start3A_25, %dma_start3A_26] : memref<200x64xf32, #tpu.memory_space<vmem>> -> memref<128x64xf32, #tpu.memory_space<vmem>>
    %dma_start3A_28 = arith.constant 0 : i32
    %dma_start3A_29 = arith.constant 0 : i32
    %dma_start3A_30 = tpu.memref_slice %arg5[%dma_start3A, %dma_start3A_28, %dma_start3A_29] : memref<4x2x200xi32, #tpu.memory_space<vmem>> -> memref<1x2x200xi32, #tpu.memory_space<vmem>>
    %dma_start3A_31 = tpu.memref_squeeze %dma_start3A_30 : memref<1x2x200xi32, #tpu.memory_space<vmem>> -> memref<2x200xi32, #tpu.memory_space<vmem>>
    %dma_start3A_32 = arith.constant 0 : i32
    %dma_start3A_33 = tpu.memref_slice %dma_start3A_31[%dma_start3A_13, %dma_start3A_32] : memref<2x200xi32, #tpu.memory_space<vmem>> -> memref<1x200xi32, #tpu.memory_space<vmem>>
    %dma_start3A_34 = tpu.memref_squeeze %dma_start3A_33 : memref<1x200xi32, #tpu.memory_space<vmem>> -> memref<200xi32, #tpu.memory_space<vmem>>
    %dma_start3A_35 = arith.constant 0 : i32
    %dma_start3A_36 = tpu.memref_slice %dma_start3A_34[%dma_start3A_35] : memref<200xi32, #tpu.memory_space<vmem>> -> memref<128xi32, #tpu.memory_space<vmem>>
    %dma_start3A_37 = arith.constant 0 : i32
    %dma_start3A_38 = arith.constant 0 : i32
    %dma_start3A_39 = tpu.memref_slice %arg7[%dma_start3A_37, %dma_start3A_38] : memref<1000x64xf32, #tpu.memory_space<vmem_shared>> -> memref<1000x64xf32, #tpu.memory_space<vmem_shared>>
    tpu.enqueue_indirect_dma source(%dma_start3A_39 : memref<1000x64xf32, #tpu.memory_space<vmem_shared>>) target(%dma_start3A_27 : memref<128x64xf32, #tpu.memory_space<vmem>>) offsets(%dma_start3A_36 : memref<128xi32, #tpu.memory_space<vmem>>) semaphore(%arg8 : memref<!tpu.dma_semaphore, #tpu.memory_space<semaphore_mem>>)
    %dma_start3A_40 = arith.constant 0 : i32
    %dma_start3A_41 = arith.constant 0 : i32
    %dma_start3A_42 = arith.constant 0 : i32
    %dma_start3A_43 = arith.constant 0 : i32
    %dma_start3A_44 = arith.constant 0 : i32
    %dma_start3A_45 = arith.constant 0 : i32
    %dma_start3A_46 = arith.constant 0 : i32
    %dma_start3A_47 = tpu.memref_slice %arg6[%dma_start3A_42, %dma_start3A_44, %dma_start3A_45, %dma_start3A_46] : memref<4x2x200x64xf32, #tpu.memory_space<vmem>> -> memref<1x2x200x64xf32, #tpu.memory_space<vmem>>
    %dma_start3A_48 = tpu.memref_squeeze %dma_start3A_47 : memref<1x2x200x64xf32, #tpu.memory_space<vmem>> -> memref<2x200x64xf32, #tpu.memory_space<vmem>>
    %dma_start3A_49 = arith.constant 0 : i32
    %dma_start3A_50 = arith.constant 0 : i32
    %dma_start3A_51 = tpu.memref_slice %dma_start3A_48[%dma_start3A_43, %dma_start3A_49, %dma_start3A_50] : memref<2x200x64xf32, #tpu.memory_space<vmem>> -> memref<1x200x64xf32, #tpu.memory_space<vmem>>
    %dma_start3A_52 = tpu.memref_squeeze %dma_start3A_51 : memref<1x200x64xf32, #tpu.memory_space<vmem>> -> memref<200x64xf32, #tpu.memory_space<vmem>>
    %dma_start3A_53 = arith.constant 128 : i32
    %dma_start3A_54 = arith.constant 0 : i32
    %dma_start3A_55 = tpu.memref_slice %dma_start3A_52[%dma_start3A_53, %dma_start3A_54] : memref<200x64xf32, #tpu.memory_space<vmem>> -> memref<72x64xf32, #tpu.memory_space<vmem>>
    %dma_start3A_56 = arith.constant 0 : i32
    %dma_start3A_57 = arith.constant 0 : i32
    %dma_start3A_58 = tpu.memref_slice %arg5[%dma_start3A_40, %dma_start3A_56, %dma_start3A_57] : memref<4x2x200xi32, #tpu.memory_space<vmem>> -> memref<1x2x200xi32, #tpu.memory_space<vmem>>
    %dma_start3A_59 = tpu.memref_squeeze %dma_start3A_58 : memref<1x2x200xi32, #tpu.memory_space<vmem>> -> memref<2x200xi32, #tpu.memory_space<vmem>>
    %dma_start3A_60 = arith.constant 0 : i32
    %dma_start3A_61 = tpu.memref_slice %dma_start3A_59[%dma_start3A_41, %dma_start3A_60] : memref<2x200xi32, #tpu.memory_space<vmem>> -> memref<1x200xi32, #tpu.memory_space<vmem>>
    %dma_start3A_62 = tpu.memref_squeeze %dma_start3A_61 : memref<1x200xi32, #tpu.memory_space<vmem>> -> memref<200xi32, #tpu.memory_space<vmem>>
    %dma_start3A_63 = arith.constant 128 : i32
    %dma_start3A_64 = tpu.memref_slice %dma_start3A_62[%dma_start3A_63] : memref<200xi32, #tpu.memory_space<vmem>> -> memref<72xi32, #tpu.memory_space<vmem>>
    %dma_start3A_65 = arith.constant 0 : i32
    %dma_start3A_66 = arith.constant 0 : i32
    %dma_start3A_67 = tpu.memref_slice %arg7[%dma_start3A_65, %dma_start3A_66] : memref<1000x64xf32, #tpu.memory_space<vmem_shared>> -> memref<1000x64xf32, #tpu.memory_space<vmem_shared>>
    tpu.enqueue_indirect_dma source(%dma_start3A_67 : memref<1000x64xf32, #tpu.memory_space<vmem_shared>>) target(%dma_start3A_55 : memref<72x64xf32, #tpu.memory_space<vmem>>) offsets(%dma_start3A_64 : memref<72xi32, #tpu.memory_space<vmem>>) semaphore(%arg8 : memref<!tpu.dma_semaphore, #tpu.memory_space<semaphore_mem>>)
    %dma_start3A_68 = arith.constant 0 : i32
    %dma_start3A_69 = arith.constant 1 : i32
    %dma_start3A_70 = arith.constant 0 : i32
    %dma_start3A_71 = arith.constant 1 : i32
    %dma_start3A_72 = arith.constant 0 : i32
    %dma_start3A_73 = arith.constant 0 : i32
    %dma_start3A_74 = arith.constant 0 : i32
    %dma_start3A_75 = tpu.memref_slice %arg6[%dma_start3A_70, %dma_start3A_72, %dma_start3A_73, %dma_start3A_74] : memref<4x2x200x64xf32, #tpu.memory_space<vmem>> -> memref<1x2x200x64xf32, #tpu.memory_space<vmem>>
    %dma_start3A_76 = tpu.memref_squeeze %dma_start3A_75 : memref<1x2x200x64xf32, #tpu.memory_space<vmem>> -> memref<2x200x64xf32, #tpu.memory_space<vmem>>
    %dma_start3A_77 = arith.constant 0 : i32
    %dma_start3A_78 = arith.constant 0 : i32
    %dma_start3A_79 = tpu.memref_slice %dma_start3A_76[%dma_start3A_71, %dma_start3A_77, %dma_start3A_78] : memref<2x200x64xf32, #tpu.memory_space<vmem>> -> memref<1x200x64xf32, #tpu.memory_space<vmem>>
    %dma_start3A_80 = tpu.memref_squeeze %dma_start3A_79 : memref<1x200x64xf32, #tpu.memory_space<vmem>> -> memref<200x64xf32, #tpu.memory_space<vmem>>
    %dma_start3A_81 = arith.constant 0 : i32
    %dma_start3A_82 = arith.constant 0 : i32
    %dma_start3A_83 = tpu.memref_slice %dma_start3A_80[%dma_start3A_81, %dma_start3A_82] : memref<200x64xf32, #tpu.memory_space<vmem>> -> memref<128x64xf32, #tpu.memory_space<vmem>>
    %dma_start3A_84 = arith.constant 0 : i32
    %dma_start3A_85 = arith.constant 0 : i32
    %dma_start3A_86 = tpu.memref_slice %arg5[%dma_start3A_68, %dma_start3A_84, %dma_start3A_85] : memref<4x2x200xi32, #tpu.memory_space<vmem>> -> memref<1x2x200xi32, #tpu.memory_space<vmem>>
    %dma_start3A_87 = tpu.memref_squeeze %dma_start3A_86 : memref<1x2x200xi32, #tpu.memory_space<vmem>> -> memref<2x200xi32, #tpu.memory_space<vmem>>
    %dma_start3A_88 = arith.constant 0 : i32
    %dma_start3A_89 = tpu.memref_slice %dma_start3A_87[%dma_start3A_69, %dma_start3A_88] : memref<2x200xi32, #tpu.memory_space<vmem>> -> memref<1x200xi32, #tpu.memory_space<vmem>>
    %dma_start3A_90 = tpu.memref_squeeze %dma_start3A_89 : memref<1x200xi32, #tpu.memory_space<vmem>> -> memref<200xi32, #tpu.memory_space<vmem>>
    %dma_start3A_91 = arith.constant 0 : i32
    %dma_start3A_92 = tpu.memref_slice %dma_start3A_90[%dma_start3A_91] : memref<200xi32, #tpu.memory_space<vmem>> -> memref<128xi32, #tpu.memory_space<vmem>>
    %dma_start3A_93 = arith.constant 0 : i32
    %dma_start3A_94 = arith.constant 0 : i32
    %dma_start3A_95 = tpu.memref_slice %arg7[%dma_start3A_93, %dma_start3A_94] : memref<1000x64xf32, #tpu.memory_space<vmem_shared>> -> memref<1000x64xf32, #tpu.memory_space<vmem_shared>>
    tpu.enqueue_indirect_dma source(%dma_start3A_95 : memref<1000x64xf32, #tpu.memory_space<vmem_shared>>) target(%dma_start3A_83 : memref<128x64xf32, #tpu.memory_space<vmem>>) offsets(%dma_start3A_92 : memref<128xi32, #tpu.memory_space<vmem>>) semaphore(%arg8 : memref<!tpu.dma_semaphore, #tpu.memory_space<semaphore_mem>>)
    %dma_start3A_96 = arith.constant 0 : i32
    %dma_start3A_97 = arith.constant 1 : i32
    %dma_start3A_98 = arith.constant 0 : i32
    %dma_start3A_99 = arith.constant 1 : i32
    %dma_start3A_100 = arith.constant 0 : i32
    %dma_start3A_101 = arith.constant 0 : i32
    %dma_start3A_102 = arith.constant 0 : i32
    %dma_start3A_103 = tpu.memref_slice %arg6[%dma_start3A_98, %dma_start3A_100, %dma_start3A_101, %dma_start3A_102] : memref<4x2x200x64xf32, #tpu.memory_space<vmem>> -> memref<1x2x200x64xf32, #tpu.memory_space<vmem>>
    %dma_start3A_104 = tpu.memref_squeeze %dma_start3A_103 : memref<1x2x200x64xf32, #tpu.memory_space<vmem>> -> memref<2x200x64xf32, #tpu.memory_space<vmem>>
    %dma_start3A_105 = arith.constant 0 : i32
    %dma_start3A_106 = arith.constant 0 : i32
    %dma_start3A_107 = tpu.memref_slice %dma_start3A_104[%dma_start3A_99, %dma_start3A_105, %dma_start3A_106] : memref<2x200x64xf32, #tpu.memory_space<vmem>> -> memref<1x200x64xf32, #tpu.memory_space<vmem>>
    %dma_start3A_108 = tpu.memref_squeeze %dma_start3A_107 : memref<1x200x64xf32, #tpu.memory_space<vmem>> -> memref<200x64xf32, #tpu.memory_space<vmem>>
    %dma_start3A_109 = arith.constant 128 : i32
    %dma_start3A_110 = arith.constant 0 : i32
    %dma_start3A_111 = tpu.memref_slice %dma_start3A_108[%dma_start3A_109, %dma_start3A_110] : memref<200x64xf32, #tpu.memory_space<vmem>> -> memref<72x64xf32, #tpu.memory_space<vmem>>
    %dma_start3A_112 = arith.constant 0 : i32
    %dma_start3A_113 = arith.constant 0 : i32
    %dma_start3A_114 = tpu.memref_slice %arg5[%dma_start3A_96, %dma_start3A_112, %dma_start3A_113] : memref<4x2x200xi32, #tpu.memory_space<vmem>> -> memref<1x2x200xi32, #tpu.memory_space<vmem>>
    %dma_start3A_115 = tpu.memref_squeeze %dma_start3A_114 : memref<1x2x200xi32, #tpu.memory_space<vmem>> -> memref<2x200xi32, #tpu.memory_space<vmem>>
    %dma_start3A_116 = arith.constant 0 : i32
    %dma_start3A_117 = tpu.memref_slice %dma_start3A_115[%dma_start3A_97, %dma_start3A_116] : memref<2x200xi32, #tpu.memory_space<vmem>> -> memref<1x200xi32, #tpu.memory_space<vmem>>
    %dma_start3A_118 = tpu.memref_squeeze %dma_start3A_117 : memref<1x200xi32, #tpu.memory_space<vmem>> -> memref<200xi32, #tpu.memory_space<vmem>>
    %dma_start3A_119 = arith.constant 128 : i32
    %dma_start3A_120 = tpu.memref_slice %dma_start3A_118[%dma_start3A_119] : memref<200xi32, #tpu.memory_space<vmem>> -> memref<72xi32, #tpu.memory_space<vmem>>
    %dma_start3A_121 = arith.constant 0 : i32
    %dma_start3A_122 = arith.constant 0 : i32
    %dma_start3A_123 = tpu.memref_slice %arg7[%dma_start3A_121, %dma_start3A_122] : memref<1000x64xf32, #tpu.memory_space<vmem_shared>> -> memref<1000x64xf32, #tpu.memory_space<vmem_shared>>
    tpu.enqueue_indirect_dma source(%dma_start3A_123 : memref<1000x64xf32, #tpu.memory_space<vmem_shared>>) target(%dma_start3A_111 : memref<72x64xf32, #tpu.memory_space<vmem>>) offsets(%dma_start3A_120 : memref<72xi32, #tpu.memory_space<vmem>>) semaphore(%arg8 : memref<!tpu.dma_semaphore, #tpu.memory_space<semaphore_mem>>)
    %dma_start3A_124 = arith.constant 1 : i32
    %dma_start3A_125 = arith.constant 0 : i32
    %dma_start3A_126 = arith.constant 1 : i32
    %dma_start3A_127 = arith.constant 0 : i32
    %dma_start3A_128 = arith.constant 0 : i32
    %dma_start3A_129 = arith.constant 0 : i32
    %dma_start3A_130 = arith.constant 0 : i32
    %dma_start3A_131 = tpu.memref_slice %arg6[%dma_start3A_126, %dma_start3A_128, %dma_start3A_129, %dma_start3A_130] : memref<4x2x200x64xf32, #tpu.memory_space<vmem>> -> memref<1x2x200x64xf32, #tpu.memory_space<vmem>>
    %dma_start3A_132 = tpu.memref_squeeze %dma_start3A_131 : memref<1x2x200x64xf32, #tpu.memory_space<vmem>> -> memref<2x200x64xf32, #tpu.memory_space<vmem>>
    %dma_start3A_133 = arith.constant 0 : i32
    %dma_start3A_134 = arith.constant 0 : i32
    %dma_start3A_135 = tpu.memref_slice %dma_start3A_132[%dma_start3A_127, %dma_start3A_133, %dma_start3A_134] : memref<2x200x64xf32, #tpu.memory_space<vmem>> -> memref<1x200x64xf32, #tpu.memory_space<vmem>>
    %dma_start3A_136 = tpu.memref_squeeze %dma_start3A_135 : memref<1x200x64xf32, #tpu.memory_space<vmem>> -> memref<200x64xf32, #tpu.memory_space<vmem>>
    %dma_start3A_137 = arith.constant 0 : i32
    %dma_start3A_138 = arith.constant 0 : i32
    %dma_start3A_139 = tpu.memref_slice %dma_start3A_136[%dma_start3A_137, %dma_start3A_138] : memref<200x64xf32, #tpu.memory_space<vmem>> -> memref<128x64xf32, #tpu.memory_space<vmem>>
    %dma_start3A_140 = arith.constant 0 : i32
    %dma_start3A_141 = arith.constant 0 : i32
    %dma_start3A_142 = tpu.memref_slice %arg5[%dma_start3A_124, %dma_start3A_140, %dma_start3A_141] : memref<4x2x200xi32, #tpu.memory_space<vmem>> -> memref<1x2x200xi32, #tpu.memory_space<vmem>>
    %dma_start3A_143 = tpu.memref_squeeze %dma_start3A_142 : memref<1x2x200xi32, #tpu.memory_space<vmem>> -> memref<2x200xi32, #tpu.memory_space<vmem>>
    %dma_start3A_144 = arith.constant 0 : i32
    %dma_start3A_145 = tpu.memref_slice %dma_start3A_143[%dma_start3A_125, %dma_start3A_144] : memref<2x200xi32, #tpu.memory_space<vmem>> -> memref<1x200xi32, #tpu.memory_space<vmem>>
    %dma_start3A_146 = tpu.memref_squeeze %dma_start3A_145 : memref<1x200xi32, #tpu.memory_space<vmem>> -> memref<200xi32, #tpu.memory_space<vmem>>
    %dma_start3A_147 = arith.constant 0 : i32
    %dma_start3A_148 = tpu.memref_slice %dma_start3A_146[%dma_start3A_147] : memref<200xi32, #tpu.memory_space<vmem>> -> memref<128xi32, #tpu.memory_space<vmem>>
    %dma_start3A_149 = arith.constant 0 : i32
    %dma_start3A_150 = arith.constant 0 : i32
    %dma_start3A_151 = tpu.memref_slice %arg7[%dma_start3A_149, %dma_start3A_150] : memref<1000x64xf32, #tpu.memory_space<vmem_shared>> -> memref<1000x64xf32, #tpu.memory_space<vmem_shared>>
    tpu.enqueue_indirect_dma source(%dma_start3A_151 : memref<1000x64xf32, #tpu.memory_space<vmem_shared>>) target(%dma_start3A_139 : memref<128x64xf32, #tpu.memory_space<vmem>>) offsets(%dma_start3A_148 : memref<128xi32, #tpu.memory_space<vmem>>) semaphore(%arg9 : memref<!tpu.dma_semaphore, #tpu.memory_space<semaphore_mem>>)
    %dma_start3A_152 = arith.constant 1 : i32
    %dma_start3A_153 = arith.constant 0 : i32
    %dma_start3A_154 = arith.constant 1 : i32
    %dma_start3A_155 = arith.constant 0 : i32
    %dma_start3A_156 = arith.constant 0 : i32
    %dma_start3A_157 = arith.constant 0 : i32
    %dma_start3A_158 = arith.constant 0 : i32
    %dma_start3A_159 = tpu.memref_slice %arg6[%dma_start3A_154, %dma_start3A_156, %dma_start3A_157, %dma_start3A_158] : memref<4x2x200x64xf32, #tpu.memory_space<vmem>> -> memref<1x2x200x64xf32, #tpu.memory_space<vmem>>
    %dma_start3A_160 = tpu.memref_squeeze %dma_start3A_159 : memref<1x2x200x64xf32, #tpu.memory_space<vmem>> -> memref<2x200x64xf32, #tpu.memory_space<vmem>>
    %dma_start3A_161 = arith.constant 0 : i32
    %dma_start3A_162 = arith.constant 0 : i32
    %dma_start3A_163 = tpu.memref_slice %dma_start3A_160[%dma_start3A_155, %dma_start3A_161, %dma_start3A_162] : memref<2x200x64xf32, #tpu.memory_space<vmem>> -> memref<1x200x64xf32, #tpu.memory_space<vmem>>
    %dma_start3A_164 = tpu.memref_squeeze %dma_start3A_163 : memref<1x200x64xf32, #tpu.memory_space<vmem>> -> memref<200x64xf32, #tpu.memory_space<vmem>>
    %dma_start3A_165 = arith.constant 128 : i32
    %dma_start3A_166 = arith.constant 0 : i32
    %dma_start3A_167 = tpu.memref_slice %dma_start3A_164[%dma_start3A_165, %dma_start3A_166] : memref<200x64xf32, #tpu.memory_space<vmem>> -> memref<72x64xf32, #tpu.memory_space<vmem>>
    %dma_start3A_168 = arith.constant 0 : i32
    %dma_start3A_169 = arith.constant 0 : i32
    %dma_start3A_170 = tpu.memref_slice %arg5[%dma_start3A_152, %dma_start3A_168, %dma_start3A_169] : memref<4x2x200xi32, #tpu.memory_space<vmem>> -> memref<1x2x200xi32, #tpu.memory_space<vmem>>
    %dma_start3A_171 = tpu.memref_squeeze %dma_start3A_170 : memref<1x2x200xi32, #tpu.memory_space<vmem>> -> memref<2x200xi32, #tpu.memory_space<vmem>>
    %dma_start3A_172 = arith.constant 0 : i32
    %dma_start3A_173 = tpu.memref_slice %dma_start3A_171[%dma_start3A_153, %dma_start3A_172] : memref<2x200xi32, #tpu.memory_space<vmem>> -> memref<1x200xi32, #tpu.memory_space<vmem>>
    %dma_start3A_174 = tpu.memref_squeeze %dma_start3A_173 : memref<1x200xi32, #tpu.memory_space<vmem>> -> memref<200xi32, #tpu.memory_space<vmem>>
    %dma_start3A_175 = arith.constant 128 : i32
    %dma_start3A_176 = tpu.memref_slice %dma_start3A_174[%dma_start3A_175] : memref<200xi32, #tpu.memory_space<vmem>> -> memref<72xi32, #tpu.memory_space<vmem>>
    %dma_start3A_177 = arith.constant 0 : i32
    %dma_start3A_178 = arith.constant 0 : i32
    %dma_start3A_179 = tpu.memref_slice %arg7[%dma_start3A_177, %dma_start3A_178] : memref<1000x64xf32, #tpu.memory_space<vmem_shared>> -> memref<1000x64xf32, #tpu.memory_space<vmem_shared>>
    tpu.enqueue_indirect_dma source(%dma_start3A_179 : memref<1000x64xf32, #tpu.memory_space<vmem_shared>>) target(%dma_start3A_167 : memref<72x64xf32, #tpu.memory_space<vmem>>) offsets(%dma_start3A_176 : memref<72xi32, #tpu.memory_space<vmem>>) semaphore(%arg9 : memref<!tpu.dma_semaphore, #tpu.memory_space<semaphore_mem>>)
    %dma_start3A_180 = arith.constant 1 : i32
    %dma_start3A_181 = arith.constant 1 : i32
    %dma_start3A_182 = arith.constant 1 : i32
    %dma_start3A_183 = arith.constant 1 : i32
    %dma_start3A_184 = arith.constant 0 : i32
    %dma_start3A_185 = arith.constant 0 : i32
    %dma_start3A_186 = arith.constant 0 : i32
    %dma_start3A_187 = tpu.memref_slice %arg6[%dma_start3A_182, %dma_start3A_184, %dma_start3A_185, %dma_start3A_186] : memref<4x2x200x64xf32, #tpu.memory_space<vmem>> -> memref<1x2x200x64xf32, #tpu.memory_space<vmem>>
    %dma_start3A_188 = tpu.memref_squeeze %dma_start3A_187 : memref<1x2x200x64xf32, #tpu.memory_space<vmem>> -> memref<2x200x64xf32, #tpu.memory_space<vmem>>
    %dma_start3A_189 = arith.constant 0 : i32
    %dma_start3A_190 = arith.constant 0 : i32
    %dma_start3A_191 = tpu.memref_slice %dma_start3A_188[%dma_start3A_183, %dma_start3A_189, %dma_start3A_190] : memref<2x200x64xf32, #tpu.memory_space<vmem>> -> memref<1x200x64xf32, #tpu.memory_space<vmem>>
    %dma_start3A_192 = tpu.memref_squeeze %dma_start3A_191 : memref<1x200x64xf32, #tpu.memory_space<vmem>> -> memref<200x64xf32, #tpu.memory_space<vmem>>
    %dma_start3A_193 = arith.constant 0 : i32
    %dma_start3A_194 = arith.constant 0 : i32
    %dma_start3A_195 = tpu.memref_slice %dma_start3A_192[%dma_start3A_193, %dma_start3A_194] : memref<200x64xf32, #tpu.memory_space<vmem>> -> memref<128x64xf32, #tpu.memory_space<vmem>>
    %dma_start3A_196 = arith.constant 0 : i32
    %dma_start3A_197 = arith.constant 0 : i32
    %dma_start3A_198 = tpu.memref_slice %arg5[%dma_start3A_180, %dma_start3A_196, %dma_start3A_197] : memref<4x2x200xi32, #tpu.memory_space<vmem>> -> memref<1x2x200xi32, #tpu.memory_space<vmem>>
    %dma_start3A_199 = tpu.memref_squeeze %dma_start3A_198 : memref<1x2x200xi32, #tpu.memory_space<vmem>> -> memref<2x200xi32, #tpu.memory_space<vmem>>
    %dma_start3A_200 = arith.constant 0 : i32
    %dma_start3A_201 = tpu.memref_slice %dma_start3A_199[%dma_start3A_181, %dma_start3A_200] : memref<2x200xi32, #tpu.memory_space<vmem>> -> memref<1x200xi32, #tpu.memory_space<vmem>>
    %dma_start3A_202 = tpu.memref_squeeze %dma_start3A_201 : memref<1x200xi32, #tpu.memory_space<vmem>> -> memref<200xi32, #tpu.memory_space<vmem>>
    %dma_start3A_203 = arith.constant 0 : i32
    %dma_start3A_204 = tpu.memref_slice %dma_start3A_202[%dma_start3A_203] : memref<200xi32, #tpu.memory_space<vmem>> -> memref<128xi32, #tpu.memory_space<vmem>>
    %dma_start3A_205 = arith.constant 0 : i32
    %dma_start3A_206 = arith.constant 0 : i32
    %dma_start3A_207 = tpu.memref_slice %arg7[%dma_start3A_205, %dma_start3A_206] : memref<1000x64xf32, #tpu.memory_space<vmem_shared>> -> memref<1000x64xf32, #tpu.memory_space<vmem_shared>>
    tpu.enqueue_indirect_dma source(%dma_start3A_207 : memref<1000x64xf32, #tpu.memory_space<vmem_shared>>) target(%dma_start3A_195 : memref<128x64xf32, #tpu.memory_space<vmem>>) offsets(%dma_start3A_204 : memref<128xi32, #tpu.memory_space<vmem>>) semaphore(%arg9 : memref<!tpu.dma_semaphore, #tpu.memory_space<semaphore_mem>>)
    %dma_start3A_208 = arith.constant 1 : i32
    %dma_start3A_209 = arith.constant 1 : i32
    %dma_start3A_210 = arith.constant 1 : i32
    %dma_start3A_211 = arith.constant 1 : i32
    %dma_start3A_212 = arith.constant 0 : i32
    %dma_start3A_213 = arith.constant 0 : i32
    %dma_start3A_214 = arith.constant 0 : i32
    %dma_start3A_215 = tpu.memref_slice %arg6[%dma_start3A_210, %dma_start3A_212, %dma_start3A_213, %dma_start3A_214] : memref<4x2x200x64xf32, #tpu.memory_space<vmem>> -> memref<1x2x200x64xf32, #tpu.memory_space<vmem>>
    %dma_start3A_216 = tpu.memref_squeeze %dma_start3A_215 : memref<1x2x200x64xf32, #tpu.memory_space<vmem>> -> memref<2x200x64xf32, #tpu.memory_space<vmem>>
    %dma_start3A_217 = arith.constant 0 : i32
    %dma_start3A_218 = arith.constant 0 : i32
    %dma_start3A_219 = tpu.memref_slice %dma_start3A_216[%dma_start3A_211, %dma_start3A_217, %dma_start3A_218] : memref<2x200x64xf32, #tpu.memory_space<vmem>> -> memref<1x200x64xf32, #tpu.memory_space<vmem>>
    %dma_start3A_220 = tpu.memref_squeeze %dma_start3A_219 : memref<1x200x64xf32, #tpu.memory_space<vmem>> -> memref<200x64xf32, #tpu.memory_space<vmem>>
    %dma_start3A_221 = arith.constant 128 : i32
    %dma_start3A_222 = arith.constant 0 : i32
    %dma_start3A_223 = tpu.memref_slice %dma_start3A_220[%dma_start3A_221, %dma_start3A_222] : memref<200x64xf32, #tpu.memory_space<vmem>> -> memref<72x64xf32, #tpu.memory_space<vmem>>
    %dma_start3A_224 = arith.constant 0 : i32
    %dma_start3A_225 = arith.constant 0 : i32
    %dma_start3A_226 = tpu.memref_slice %arg5[%dma_start3A_208, %dma_start3A_224, %dma_start3A_225] : memref<4x2x200xi32, #tpu.memory_space<vmem>> -> memref<1x2x200xi32, #tpu.memory_space<vmem>>
    %dma_start3A_227 = tpu.memref_squeeze %dma_start3A_226 : memref<1x2x200xi32, #tpu.memory_space<vmem>> -> memref<2x200xi32, #tpu.memory_space<vmem>>
    %dma_start3A_228 = arith.constant 0 : i32
    %dma_start3A_229 = tpu.memref_slice %dma_start3A_227[%dma_start3A_209, %dma_start3A_228] : memref<2x200xi32, #tpu.memory_space<vmem>> -> memref<1x200xi32, #tpu.memory_space<vmem>>
    %dma_start3A_230 = tpu.memref_squeeze %dma_start3A_229 : memref<1x200xi32, #tpu.memory_space<vmem>> -> memref<200xi32, #tpu.memory_space<vmem>>
    %dma_start3A_231 = arith.constant 128 : i32
    %dma_start3A_232 = tpu.memref_slice %dma_start3A_230[%dma_start3A_231] : memref<200xi32, #tpu.memory_space<vmem>> -> memref<72xi32, #tpu.memory_space<vmem>>
    %dma_start3A_233 = arith.constant 0 : i32
    %dma_start3A_234 = arith.constant 0 : i32
    %dma_start3A_235 = tpu.memref_slice %arg7[%dma_start3A_233, %dma_start3A_234] : memref<1000x64xf32, #tpu.memory_space<vmem_shared>> -> memref<1000x64xf32, #tpu.memory_space<vmem_shared>>
    tpu.enqueue_indirect_dma source(%dma_start3A_235 : memref<1000x64xf32, #tpu.memory_space<vmem_shared>>) target(%dma_start3A_223 : memref<72x64xf32, #tpu.memory_space<vmem>>) offsets(%dma_start3A_232 : memref<72xi32, #tpu.memory_space<vmem>>) semaphore(%arg9 : memref<!tpu.dma_semaphore, #tpu.memory_space<semaphore_mem>>)
    %scan3A = arith.constant 0 : i32
    %scan3A_236 = arith.constant 0 : i32
    %scan3A_237 = arith.constant 64 : i32
    %scan3A_238 = arith.addi %scan3A_236, %scan3A_237 : i32
    %scan3A_239 = arith.constant 1 : i32
    scf.for %scan3A_316 = %scan3A_236 to %scan3A_238 step %scan3A_239  : i32 {
      %mul3A_317 = arith.constant 4 : i32
      %mul3A_318 = arith.muli %mul3A_317, %scan3A_316 : i32
      %dma_wait3A_319 = arith.constant 0 : i32
      %dma_wait3A_320 = arith.constant 0 : i32
      %dma_wait3A_321 = arith.constant 0 : i32
      %dma_wait3A_322 = arith.constant 0 : i32
      %dma_wait3A_323 = arith.constant 0 : i32
      %dma_wait3A_324 = tpu.memref_slice %arg6[%dma_wait3A_319, %dma_wait3A_321, %dma_wait3A_322, %dma_wait3A_323] : memref<4x2x200x64xf32, #tpu.memory_space<vmem>> -> memref<1x2x200x64xf32, #tpu.memory_space<vmem>>
      %dma_wait3A_325 = tpu.memref_squeeze %dma_wait3A_324 : memref<1x2x200x64xf32, #tpu.memory_space<vmem>> -> memref<2x200x64xf32, #tpu.memory_space<vmem>>
      %dma_wait3A_326 = arith.constant 0 : i32
      %dma_wait3A_327 = arith.constant 0 : i32
      %dma_wait3A_328 = tpu.memref_slice %dma_wait3A_325[%dma_wait3A_320, %dma_wait3A_326, %dma_wait3A_327] : memref<2x200x64xf32, #tpu.memory_space<vmem>> -> memref<1x200x64xf32, #tpu.memory_space<vmem>>
      %dma_wait3A_329 = tpu.memref_squeeze %dma_wait3A_328 : memref<1x200x64xf32, #tpu.memory_space<vmem>> -> memref<200x64xf32, #tpu.memory_space<vmem>>
      %dma_wait3A_330 = arith.constant 0 : i32
      %dma_wait3A_331 = arith.constant 0 : i32
      %dma_wait3A_332 = tpu.memref_slice %arg3[%dma_wait3A_330, %dma_wait3A_331] : memref<1000x64xf32, #tpu.memory_space<hbm>> -> memref<200x64xf32, #tpu.memory_space<hbm>>
      %dma_wait3A_333 = arith.constant 0 : i32
      %dma_wait3A_334 = arith.constant 0 : i32
      %dma_wait3A_335 = arith.constant 0 : i32
      %dma_wait3A_336 = tpu.memref_slice %arg6[%dma_wait3A_319, %dma_wait3A_333, %dma_wait3A_334, %dma_wait3A_335] : memref<4x2x200x64xf32, #tpu.memory_space<vmem>> -> memref<1x2x200x64xf32, #tpu.memory_space<vmem>>
      %dma_wait3A_337 = tpu.memref_squeeze %dma_wait3A_336 : memref<1x2x200x64xf32, #tpu.memory_space<vmem>> -> memref<2x200x64xf32, #tpu.memory_space<vmem>>
      %dma_wait3A_338 = arith.constant 0 : i32
      %dma_wait3A_339 = arith.constant 0 : i32
      %dma_wait3A_340 = tpu.memref_slice %dma_wait3A_337[%dma_wait3A_320, %dma_wait3A_338, %dma_wait3A_339] : memref<2x200x64xf32, #tpu.memory_space<vmem>> -> memref<1x200x64xf32, #tpu.memory_space<vmem>>
      %dma_wait3A_341 = tpu.memref_squeeze %dma_wait3A_340 : memref<1x200x64xf32, #tpu.memory_space<vmem>> -> memref<200x64xf32, #tpu.memory_space<vmem>>
      %dma_wait3A_342 = arith.constant 0 : i32
      %dma_wait3A_343 = arith.constant 0 : i32
      %dma_wait3A_344 = tpu.memref_slice %arg3[%dma_wait3A_342, %dma_wait3A_343] : memref<1000x64xf32, #tpu.memory_space<hbm>> -> memref<200x64xf32, #tpu.memory_space<hbm>>
      tpu.wait_dma2 semaphore(%arg8 : memref<!tpu.dma_semaphore, #tpu.memory_space<semaphore_mem>>) src(%dma_wait3A_344 : memref<200x64xf32, #tpu.memory_space<hbm>>) dst(%dma_wait3A_341 : memref<200x64xf32, #tpu.memory_space<vmem>>)
      %dma_wait3A_345 = arith.constant 0 : i32
      %dma_wait3A_346 = arith.constant 1 : i32
      %dma_wait3A_347 = arith.constant 0 : i32
      %dma_wait3A_348 = arith.constant 0 : i32
      %dma_wait3A_349 = arith.constant 0 : i32
      %dma_wait3A_350 = tpu.memref_slice %arg6[%dma_wait3A_345, %dma_wait3A_347, %dma_wait3A_348, %dma_wait3A_349] : memref<4x2x200x64xf32, #tpu.memory_space<vmem>> -> memref<1x2x200x64xf32, #tpu.memory_space<vmem>>
      %dma_wait3A_351 = tpu.memref_squeeze %dma_wait3A_350 : memref<1x2x200x64xf32, #tpu.memory_space<vmem>> -> memref<2x200x64xf32, #tpu.memory_space<vmem>>
      %dma_wait3A_352 = arith.constant 0 : i32
      %dma_wait3A_353 = arith.constant 0 : i32
      %dma_wait3A_354 = tpu.memref_slice %dma_wait3A_351[%dma_wait3A_346, %dma_wait3A_352, %dma_wait3A_353] : memref<2x200x64xf32, #tpu.memory_space<vmem>> -> memref<1x200x64xf32, #tpu.memory_space<vmem>>
      %dma_wait3A_355 = tpu.memref_squeeze %dma_wait3A_354 : memref<1x200x64xf32, #tpu.memory_space<vmem>> -> memref<200x64xf32, #tpu.memory_space<vmem>>
      %dma_wait3A_356 = arith.constant 0 : i32
      %dma_wait3A_357 = arith.constant 0 : i32
      %dma_wait3A_358 = tpu.memref_slice %arg3[%dma_wait3A_356, %dma_wait3A_357] : memref<1000x64xf32, #tpu.memory_space<hbm>> -> memref<200x64xf32, #tpu.memory_space<hbm>>
      %dma_wait3A_359 = arith.constant 0 : i32
      %dma_wait3A_360 = arith.constant 0 : i32
      %dma_wait3A_361 = arith.constant 0 : i32
      %dma_wait3A_362 = tpu.memref_slice %arg6[%dma_wait3A_345, %dma_wait3A_359, %dma_wait3A_360, %dma_wait3A_361] : memref<4x2x200x64xf32, #tpu.memory_space<vmem>> -> memref<1x2x200x64xf32, #tpu.memory_space<vmem>>
      %dma_wait3A_363 = tpu.memref_squeeze %dma_wait3A_362 : memref<1x2x200x64xf32, #tpu.memory_space<vmem>> -> memref<2x200x64xf32, #tpu.memory_space<vmem>>
      %dma_wait3A_364 = arith.constant 0 : i32
      %dma_wait3A_365 = arith.constant 0 : i32
      %dma_wait3A_366 = tpu.memref_slice %dma_wait3A_363[%dma_wait3A_346, %dma_wait3A_364, %dma_wait3A_365] : memref<2x200x64xf32, #tpu.memory_space<vmem>> -> memref<1x200x64xf32, #tpu.memory_space<vmem>>
      %dma_wait3A_367 = tpu.memref_squeeze %dma_wait3A_366 : memref<1x200x64xf32, #tpu.memory_space<vmem>> -> memref<200x64xf32, #tpu.memory_space<vmem>>
      %dma_wait3A_368 = arith.constant 0 : i32
      %dma_wait3A_369 = arith.constant 0 : i32
      %dma_wait3A_370 = tpu.memref_slice %arg3[%dma_wait3A_368, %dma_wait3A_369] : memref<1000x64xf32, #tpu.memory_space<hbm>> -> memref<200x64xf32, #tpu.memory_space<hbm>>
      tpu.wait_dma2 semaphore(%arg8 : memref<!tpu.dma_semaphore, #tpu.memory_space<semaphore_mem>>) src(%dma_wait3A_370 : memref<200x64xf32, #tpu.memory_space<hbm>>) dst(%dma_wait3A_367 : memref<200x64xf32, #tpu.memory_space<vmem>>)
      %mul3A_371 = arith.constant 2 : i32
      %mul3A_372 = arith.muli %mul3A_318, %mul3A_371 : i32
      %add3A_373 = arith.addi %mul3A_2, %mul3A_372 : i32
      %dma_start3A_374 = arith.constant 0 : i32
      %dma_start3A_375 = arith.constant 0 : i32
      %dma_start3A_376 = arith.constant 0 : i32
      %dma_start3A_377 = arith.constant 0 : i32
      %dma_start3A_378 = tpu.memref_slice %arg6[%dma_start3A_374, %dma_start3A_375, %dma_start3A_376, %dma_start3A_377] : memref<4x2x200x64xf32, #tpu.memory_space<vmem>> -> memref<1x2x200x64xf32, #tpu.memory_space<vmem>>
      %dma_start3A_379 = tpu.memref_squeeze %dma_start3A_378 : memref<1x2x200x64xf32, #tpu.memory_space<vmem>> -> memref<2x200x64xf32, #tpu.memory_space<vmem>>
      %dma_start3A_380 = arith.constant 0 : i32
      %dma_start3A_381 = arith.constant 0 : i32
      %dma_start3A_382 = tpu.memref_slice %arg4[%add3A_373, %dma_start3A_380, %dma_start3A_381] : memref<16384x200x64xf32, #tpu.memory_space<hbm>> -> memref<2x200x64xf32, #tpu.memory_space<hbm>>
      %dma_start3A_383 = arith.constant 0 : i32
      %dma_start3A_384 = arith.constant 0 : i32
      %dma_start3A_385 = tpu.memref_slice %arg4[%add3A_373, %dma_start3A_383, %dma_start3A_384] : memref<16384x200x64xf32, #tpu.memory_space<hbm>> -> memref<2x200x64xf32, #tpu.memory_space<hbm>>
      %dma_start3A_386 = arith.constant 0 : i32
      %dma_start3A_387 = arith.constant 0 : i32
      %dma_start3A_388 = arith.constant 0 : i32
      %dma_start3A_389 = tpu.memref_slice %arg6[%dma_start3A_374, %dma_start3A_386, %dma_start3A_387, %dma_start3A_388] : memref<4x2x200x64xf32, #tpu.memory_space<vmem>> -> memref<1x2x200x64xf32, #tpu.memory_space<vmem>>
      %dma_start3A_390 = tpu.memref_squeeze %dma_start3A_389 : memref<1x2x200x64xf32, #tpu.memory_space<vmem>> -> memref<2x200x64xf32, #tpu.memory_space<vmem>>
      tpu.enqueue_dma source(%dma_start3A_390 : memref<2x200x64xf32, #tpu.memory_space<vmem>>) target(%dma_start3A_385 : memref<2x200x64xf32, #tpu.memory_space<hbm>>) target_semaphore(%arg12 : memref<!tpu.dma_semaphore, #tpu.memory_space<semaphore_mem>>)
      %ge3A = arith.constant 1 : i32
      %ge3A_391 = arith.cmpi sge, %scan3A_316, %ge3A : i32
      %convert_element_type3A_392 = arith.extui %ge3A_391 : i1 to i32
      %cond3A_393 = arith.constant 0 : i32
      %cond3A_394 = arith.cmpi ne, %convert_element_type3A_392, %cond3A_393 : i32
      scf.if %cond3A_394 {
        %dma_wait3A_788 = arith.constant 2 : i32
        %dma_wait3A_789 = arith.constant 0 : i32
        %dma_wait3A_790 = arith.constant 0 : i32
        %dma_wait3A_791 = arith.constant 0 : i32
        %dma_wait3A_792 = tpu.memref_slice %arg6[%dma_wait3A_788, %dma_wait3A_789, %dma_wait3A_790, %dma_wait3A_791] : memref<4x2x200x64xf32, #tpu.memory_space<vmem>> -> memref<1x2x200x64xf32, #tpu.memory_space<vmem>>
        %dma_wait3A_793 = tpu.memref_squeeze %dma_wait3A_792 : memref<1x2x200x64xf32, #tpu.memory_space<vmem>> -> memref<2x200x64xf32, #tpu.memory_space<vmem>>
        %dma_wait3A_794 = arith.constant 0 : i32
        %dma_wait3A_795 = arith.constant 0 : i32
        %dma_wait3A_796 = arith.constant 0 : i32
        %dma_wait3A_797 = tpu.memref_slice %arg4[%dma_wait3A_794, %dma_wait3A_795, %dma_wait3A_796] : memref<16384x200x64xf32, #tpu.memory_space<hbm>> -> memref<2x200x64xf32, #tpu.memory_space<hbm>>
        %dma_wait3A_798 = arith.constant 0 : i32
        %dma_wait3A_799 = arith.constant 0 : i32
        %dma_wait3A_800 = arith.constant 0 : i32
        %dma_wait3A_801 = tpu.memref_slice %arg6[%dma_wait3A_788, %dma_wait3A_798, %dma_wait3A_799, %dma_wait3A_800] : memref<4x2x200x64xf32, #tpu.memory_space<vmem>> -> memref<1x2x200x64xf32, #tpu.memory_space<vmem>>
        %dma_wait3A_802 = tpu.memref_squeeze %dma_wait3A_801 : memref<1x2x200x64xf32, #tpu.memory_space<vmem>> -> memref<2x200x64xf32, #tpu.memory_space<vmem>>
        %dma_wait3A_803 = arith.constant 0 : i32
        %dma_wait3A_804 = arith.constant 0 : i32
        %dma_wait3A_805 = arith.constant 0 : i32
        %dma_wait3A_806 = tpu.memref_slice %arg4[%dma_wait3A_803, %dma_wait3A_804, %dma_wait3A_805] : memref<16384x200x64xf32, #tpu.memory_space<hbm>> -> memref<2x200x64xf32, #tpu.memory_space<hbm>>
        tpu.wait_dma2 semaphore(%arg14 : memref<!tpu.dma_semaphore, #tpu.memory_space<semaphore_mem>>) src(%dma_wait3A_806 : memref<2x200x64xf32, #tpu.memory_space<hbm>>) dst(%dma_wait3A_802 : memref<2x200x64xf32, #tpu.memory_space<vmem>>)
        %dma_wait3A_807 = arith.constant 2 : i32
        %dma_wait3A_808 = arith.constant 0 : i32
        %dma_wait3A_809 = arith.constant 0 : i32
        %dma_wait3A_810 = tpu.memref_slice %arg5[%dma_wait3A_807, %dma_wait3A_808, %dma_wait3A_809] : memref<4x2x200xi32, #tpu.memory_space<vmem>> -> memref<1x2x200xi32, #tpu.memory_space<vmem>>
        %dma_wait3A_811 = tpu.memref_squeeze %dma_wait3A_810 : memref<1x2x200xi32, #tpu.memory_space<vmem>> -> memref<2x200xi32, #tpu.memory_space<vmem>>
        %dma_wait3A_812 = arith.constant 0 : i32
        %dma_wait3A_813 = arith.constant 0 : i32
        %dma_wait3A_814 = tpu.memref_slice %arg2[%dma_wait3A_812, %dma_wait3A_813] : memref<16384x200xi32, #tpu.memory_space<hbm>> -> memref<2x200xi32, #tpu.memory_space<hbm>>
        %dma_wait3A_815 = arith.constant 0 : i32
        %dma_wait3A_816 = arith.constant 0 : i32
        %dma_wait3A_817 = tpu.memref_slice %arg5[%dma_wait3A_807, %dma_wait3A_815, %dma_wait3A_816] : memref<4x2x200xi32, #tpu.memory_space<vmem>> -> memref<1x2x200xi32, #tpu.memory_space<vmem>>
        %dma_wait3A_818 = tpu.memref_squeeze %dma_wait3A_817 : memref<1x2x200xi32, #tpu.memory_space<vmem>> -> memref<2x200xi32, #tpu.memory_space<vmem>>
        %dma_wait3A_819 = arith.constant 0 : i32
        %dma_wait3A_820 = arith.constant 0 : i32
        %dma_wait3A_821 = tpu.memref_slice %arg2[%dma_wait3A_819, %dma_wait3A_820] : memref<16384x200xi32, #tpu.memory_space<hbm>> -> memref<2x200xi32, #tpu.memory_space<hbm>>
        tpu.wait_dma2 semaphore(%arg18 : memref<!tpu.dma_semaphore, #tpu.memory_space<semaphore_mem>>) src(%dma_wait3A_821 : memref<2x200xi32, #tpu.memory_space<hbm>>) dst(%dma_wait3A_818 : memref<2x200xi32, #tpu.memory_space<vmem>>)
        %add3A_822 = arith.constant 2 : i32
        %add3A_823 = arith.addi %mul3A_318, %add3A_822 : i32
        %dma_start3A_824 = arith.constant 2 : i32
        %dma_start3A_825 = arith.constant 0 : i32
        %dma_start3A_826 = arith.constant 2 : i32
        %dma_start3A_827 = arith.constant 0 : i32
        %dma_start3A_828 = arith.constant 0 : i32
        %dma_start3A_829 = arith.constant 0 : i32
        %dma_start3A_830 = arith.constant 0 : i32
        %dma_start3A_831 = tpu.memref_slice %arg6[%dma_start3A_826, %dma_start3A_828, %dma_start3A_829, %dma_start3A_830] : memref<4x2x200x64xf32, #tpu.memory_space<vmem>> -> memref<1x2x200x64xf32, #tpu.memory_space<vmem>>
        %dma_start3A_832 = tpu.memref_squeeze %dma_start3A_831 : memref<1x2x200x64xf32, #tpu.memory_space<vmem>> -> memref<2x200x64xf32, #tpu.memory_space<vmem>>
        %dma_start3A_833 = arith.constant 0 : i32
        %dma_start3A_834 = arith.constant 0 : i32
        %dma_start3A_835 = tpu.memref_slice %dma_start3A_832[%dma_start3A_827, %dma_start3A_833, %dma_start3A_834] : memref<2x200x64xf32, #tpu.memory_space<vmem>> -> memref<1x200x64xf32, #tpu.memory_space<vmem>>
        %dma_start3A_836 = tpu.memref_squeeze %dma_start3A_835 : memref<1x200x64xf32, #tpu.memory_space<vmem>> -> memref<200x64xf32, #tpu.memory_space<vmem>>
        %dma_start3A_837 = arith.constant 0 : i32
        %dma_start3A_838 = arith.constant 0 : i32
        %dma_start3A_839 = tpu.memref_slice %dma_start3A_836[%dma_start3A_837, %dma_start3A_838] : memref<200x64xf32, #tpu.memory_space<vmem>> -> memref<128x64xf32, #tpu.memory_space<vmem>>
        %dma_start3A_840 = arith.constant 0 : i32
        %dma_start3A_841 = arith.constant 0 : i32
        %dma_start3A_842 = tpu.memref_slice %arg5[%dma_start3A_824, %dma_start3A_840, %dma_start3A_841] : memref<4x2x200xi32, #tpu.memory_space<vmem>> -> memref<1x2x200xi32, #tpu.memory_space<vmem>>
        %dma_start3A_843 = tpu.memref_squeeze %dma_start3A_842 : memref<1x2x200xi32, #tpu.memory_space<vmem>> -> memref<2x200xi32, #tpu.memory_space<vmem>>
        %dma_start3A_844 = arith.constant 0 : i32
        %dma_start3A_845 = tpu.memref_slice %dma_start3A_843[%dma_start3A_825, %dma_start3A_844] : memref<2x200xi32, #tpu.memory_space<vmem>> -> memref<1x200xi32, #tpu.memory_space<vmem>>
        %dma_start3A_846 = tpu.memref_squeeze %dma_start3A_845 : memref<1x200xi32, #tpu.memory_space<vmem>> -> memref<200xi32, #tpu.memory_space<vmem>>
        %dma_start3A_847 = arith.constant 0 : i32
        %dma_start3A_848 = tpu.memref_slice %dma_start3A_846[%dma_start3A_847] : memref<200xi32, #tpu.memory_space<vmem>> -> memref<128xi32, #tpu.memory_space<vmem>>
        %dma_start3A_849 = arith.constant 0 : i32
        %dma_start3A_850 = arith.constant 0 : i32
        %dma_start3A_851 = tpu.memref_slice %arg7[%dma_start3A_849, %dma_start3A_850] : memref<1000x64xf32, #tpu.memory_space<vmem_shared>> -> memref<1000x64xf32, #tpu.memory_space<vmem_shared>>
        tpu.enqueue_indirect_dma source(%dma_start3A_851 : memref<1000x64xf32, #tpu.memory_space<vmem_shared>>) target(%dma_start3A_839 : memref<128x64xf32, #tpu.memory_space<vmem>>) offsets(%dma_start3A_848 : memref<128xi32, #tpu.memory_space<vmem>>) semaphore(%arg10 : memref<!tpu.dma_semaphore, #tpu.memory_space<semaphore_mem>>)
        %dma_start3A_852 = arith.constant 2 : i32
        %dma_start3A_853 = arith.constant 0 : i32
        %dma_start3A_854 = arith.constant 2 : i32
        %dma_start3A_855 = arith.constant 0 : i32
        %dma_start3A_856 = arith.constant 0 : i32
        %dma_start3A_857 = arith.constant 0 : i32
        %dma_start3A_858 = arith.constant 0 : i32
        %dma_start3A_859 = tpu.memref_slice %arg6[%dma_start3A_854, %dma_start3A_856, %dma_start3A_857, %dma_start3A_858] : memref<4x2x200x64xf32, #tpu.memory_space<vmem>> -> memref<1x2x200x64xf32, #tpu.memory_space<vmem>>
        %dma_start3A_860 = tpu.memref_squeeze %dma_start3A_859 : memref<1x2x200x64xf32, #tpu.memory_space<vmem>> -> memref<2x200x64xf32, #tpu.memory_space<vmem>>
        %dma_start3A_861 = arith.constant 0 : i32
        %dma_start3A_862 = arith.constant 0 : i32
        %dma_start3A_863 = tpu.memref_slice %dma_start3A_860[%dma_start3A_855, %dma_start3A_861, %dma_start3A_862] : memref<2x200x64xf32, #tpu.memory_space<vmem>> -> memref<1x200x64xf32, #tpu.memory_space<vmem>>
        %dma_start3A_864 = tpu.memref_squeeze %dma_start3A_863 : memref<1x200x64xf32, #tpu.memory_space<vmem>> -> memref<200x64xf32, #tpu.memory_space<vmem>>
        %dma_start3A_865 = arith.constant 128 : i32
        %dma_start3A_866 = arith.constant 0 : i32
        %dma_start3A_867 = tpu.memref_slice %dma_start3A_864[%dma_start3A_865, %dma_start3A_866] : memref<200x64xf32, #tpu.memory_space<vmem>> -> memref<72x64xf32, #tpu.memory_space<vmem>>
        %dma_start3A_868 = arith.constant 0 : i32
        %dma_start3A_869 = arith.constant 0 : i32
        %dma_start3A_870 = tpu.memref_slice %arg5[%dma_start3A_852, %dma_start3A_868, %dma_start3A_869] : memref<4x2x200xi32, #tpu.memory_space<vmem>> -> memref<1x2x200xi32, #tpu.memory_space<vmem>>
        %dma_start3A_871 = tpu.memref_squeeze %dma_start3A_870 : memref<1x2x200xi32, #tpu.memory_space<vmem>> -> memref<2x200xi32, #tpu.memory_space<vmem>>
        %dma_start3A_872 = arith.constant 0 : i32
        %dma_start3A_873 = tpu.memref_slice %dma_start3A_871[%dma_start3A_853, %dma_start3A_872] : memref<2x200xi32, #tpu.memory_space<vmem>> -> memref<1x200xi32, #tpu.memory_space<vmem>>
        %dma_start3A_874 = tpu.memref_squeeze %dma_start3A_873 : memref<1x200xi32, #tpu.memory_space<vmem>> -> memref<200xi32, #tpu.memory_space<vmem>>
        %dma_start3A_875 = arith.constant 128 : i32
        %dma_start3A_876 = tpu.memref_slice %dma_start3A_874[%dma_start3A_875] : memref<200xi32, #tpu.memory_space<vmem>> -> memref<72xi32, #tpu.memory_space<vmem>>
        %dma_start3A_877 = arith.constant 0 : i32
        %dma_start3A_878 = arith.constant 0 : i32
        %dma_start3A_879 = tpu.memref_slice %arg7[%dma_start3A_877, %dma_start3A_878] : memref<1000x64xf32, #tpu.memory_space<vmem_shared>> -> memref<1000x64xf32, #tpu.memory_space<vmem_shared>>
        tpu.enqueue_indirect_dma source(%dma_start3A_879 : memref<1000x64xf32, #tpu.memory_space<vmem_shared>>) target(%dma_start3A_867 : memref<72x64xf32, #tpu.memory_space<vmem>>) offsets(%dma_start3A_876 : memref<72xi32, #tpu.memory_space<vmem>>) semaphore(%arg10 : memref<!tpu.dma_semaphore, #tpu.memory_space<semaphore_mem>>)
        %dma_start3A_880 = arith.constant 2 : i32
        %dma_start3A_881 = arith.constant 1 : i32
        %dma_start3A_882 = arith.constant 2 : i32
        %dma_start3A_883 = arith.constant 1 : i32
        %dma_start3A_884 = arith.constant 0 : i32
        %dma_start3A_885 = arith.constant 0 : i32
        %dma_start3A_886 = arith.constant 0 : i32
        %dma_start3A_887 = tpu.memref_slice %arg6[%dma_start3A_882, %dma_start3A_884, %dma_start3A_885, %dma_start3A_886] : memref<4x2x200x64xf32, #tpu.memory_space<vmem>> -> memref<1x2x200x64xf32, #tpu.memory_space<vmem>>
        %dma_start3A_888 = tpu.memref_squeeze %dma_start3A_887 : memref<1x2x200x64xf32, #tpu.memory_space<vmem>> -> memref<2x200x64xf32, #tpu.memory_space<vmem>>
        %dma_start3A_889 = arith.constant 0 : i32
        %dma_start3A_890 = arith.constant 0 : i32
        %dma_start3A_891 = tpu.memref_slice %dma_start3A_888[%dma_start3A_883, %dma_start3A_889, %dma_start3A_890] : memref<2x200x64xf32, #tpu.memory_space<vmem>> -> memref<1x200x64xf32, #tpu.memory_space<vmem>>
        %dma_start3A_892 = tpu.memref_squeeze %dma_start3A_891 : memref<1x200x64xf32, #tpu.memory_space<vmem>> -> memref<200x64xf32, #tpu.memory_space<vmem>>
        %dma_start3A_893 = arith.constant 0 : i32
        %dma_start3A_894 = arith.constant 0 : i32
        %dma_start3A_895 = tpu.memref_slice %dma_start3A_892[%dma_start3A_893, %dma_start3A_894] : memref<200x64xf32, #tpu.memory_space<vmem>> -> memref<128x64xf32, #tpu.memory_space<vmem>>
        %dma_start3A_896 = arith.constant 0 : i32
        %dma_start3A_897 = arith.constant 0 : i32
        %dma_start3A_898 = tpu.memref_slice %arg5[%dma_start3A_880, %dma_start3A_896, %dma_start3A_897] : memref<4x2x200xi32, #tpu.memory_space<vmem>> -> memref<1x2x200xi32, #tpu.memory_space<vmem>>
        %dma_start3A_899 = tpu.memref_squeeze %dma_start3A_898 : memref<1x2x200xi32, #tpu.memory_space<vmem>> -> memref<2x200xi32, #tpu.memory_space<vmem>>
        %dma_start3A_900 = arith.constant 0 : i32
        %dma_start3A_901 = tpu.memref_slice %dma_start3A_899[%dma_start3A_881, %dma_start3A_900] : memref<2x200xi32, #tpu.memory_space<vmem>> -> memref<1x200xi32, #tpu.memory_space<vmem>>
        %dma_start3A_902 = tpu.memref_squeeze %dma_start3A_901 : memref<1x200xi32, #tpu.memory_space<vmem>> -> memref<200xi32, #tpu.memory_space<vmem>>
        %dma_start3A_903 = arith.constant 0 : i32
        %dma_start3A_904 = tpu.memref_slice %dma_start3A_902[%dma_start3A_903] : memref<200xi32, #tpu.memory_space<vmem>> -> memref<128xi32, #tpu.memory_space<vmem>>
        %dma_start3A_905 = arith.constant 0 : i32
        %dma_start3A_906 = arith.constant 0 : i32
        %dma_start3A_907 = tpu.memref_slice %arg7[%dma_start3A_905, %dma_start3A_906] : memref<1000x64xf32, #tpu.memory_space<vmem_shared>> -> memref<1000x64xf32, #tpu.memory_space<vmem_shared>>
        tpu.enqueue_indirect_dma source(%dma_start3A_907 : memref<1000x64xf32, #tpu.memory_space<vmem_shared>>) target(%dma_start3A_895 : memref<128x64xf32, #tpu.memory_space<vmem>>) offsets(%dma_start3A_904 : memref<128xi32, #tpu.memory_space<vmem>>) semaphore(%arg10 : memref<!tpu.dma_semaphore, #tpu.memory_space<semaphore_mem>>)
        %dma_start3A_908 = arith.constant 2 : i32
        %dma_start3A_909 = arith.constant 1 : i32
        %dma_start3A_910 = arith.constant 2 : i32
        %dma_start3A_911 = arith.constant 1 : i32
        %dma_start3A_912 = arith.constant 0 : i32
        %dma_start3A_913 = arith.constant 0 : i32
        %dma_start3A_914 = arith.constant 0 : i32
        %dma_start3A_915 = tpu.memref_slice %arg6[%dma_start3A_910, %dma_start3A_912, %dma_start3A_913, %dma_start3A_914] : memref<4x2x200x64xf32, #tpu.memory_space<vmem>> -> memref<1x2x200x64xf32, #tpu.memory_space<vmem>>
        %dma_start3A_916 = tpu.memref_squeeze %dma_start3A_915 : memref<1x2x200x64xf32, #tpu.memory_space<vmem>> -> memref<2x200x64xf32, #tpu.memory_space<vmem>>
        %dma_start3A_917 = arith.constant 0 : i32
        %dma_start3A_918 = arith.constant 0 : i32
        %dma_start3A_919 = tpu.memref_slice %dma_start3A_916[%dma_start3A_911, %dma_start3A_917, %dma_start3A_918] : memref<2x200x64xf32, #tpu.memory_space<vmem>> -> memref<1x200x64xf32, #tpu.memory_space<vmem>>
        %dma_start3A_920 = tpu.memref_squeeze %dma_start3A_919 : memref<1x200x64xf32, #tpu.memory_space<vmem>> -> memref<200x64xf32, #tpu.memory_space<vmem>>
        %dma_start3A_921 = arith.constant 128 : i32
        %dma_start3A_922 = arith.constant 0 : i32
        %dma_start3A_923 = tpu.memref_slice %dma_start3A_920[%dma_start3A_921, %dma_start3A_922] : memref<200x64xf32, #tpu.memory_space<vmem>> -> memref<72x64xf32, #tpu.memory_space<vmem>>
        %dma_start3A_924 = arith.constant 0 : i32
        %dma_start3A_925 = arith.constant 0 : i32
        %dma_start3A_926 = tpu.memref_slice %arg5[%dma_start3A_908, %dma_start3A_924, %dma_start3A_925] : memref<4x2x200xi32, #tpu.memory_space<vmem>> -> memref<1x2x200xi32, #tpu.memory_space<vmem>>
        %dma_start3A_927 = tpu.memref_squeeze %dma_start3A_926 : memref<1x2x200xi32, #tpu.memory_space<vmem>> -> memref<2x200xi32, #tpu.memory_space<vmem>>
        %dma_start3A_928 = arith.constant 0 : i32
        %dma_start3A_929 = tpu.memref_slice %dma_start3A_927[%dma_start3A_909, %dma_start3A_928] : memref<2x200xi32, #tpu.memory_space<vmem>> -> memref<1x200xi32, #tpu.memory_space<vmem>>
        %dma_start3A_930 = tpu.memref_squeeze %dma_start3A_929 : memref<1x200xi32, #tpu.memory_space<vmem>> -> memref<200xi32, #tpu.memory_space<vmem>>
        %dma_start3A_931 = arith.constant 128 : i32
        %dma_start3A_932 = tpu.memref_slice %dma_start3A_930[%dma_start3A_931] : memref<200xi32, #tpu.memory_space<vmem>> -> memref<72xi32, #tpu.memory_space<vmem>>
        %dma_start3A_933 = arith.constant 0 : i32
        %dma_start3A_934 = arith.constant 0 : i32
        %dma_start3A_935 = tpu.memref_slice %arg7[%dma_start3A_933, %dma_start3A_934] : memref<1000x64xf32, #tpu.memory_space<vmem_shared>> -> memref<1000x64xf32, #tpu.memory_space<vmem_shared>>
        tpu.enqueue_indirect_dma source(%dma_start3A_935 : memref<1000x64xf32, #tpu.memory_space<vmem_shared>>) target(%dma_start3A_923 : memref<72x64xf32, #tpu.memory_space<vmem>>) offsets(%dma_start3A_932 : memref<72xi32, #tpu.memory_space<vmem>>) semaphore(%arg10 : memref<!tpu.dma_semaphore, #tpu.memory_space<semaphore_mem>>)
      } else {
      }
      %lt3A = arith.constant 1 : i32
      %lt3A_395 = arith.cmpi slt, %scan3A_316, %lt3A : i32
      %convert_element_type3A_396 = arith.extui %lt3A_395 : i1 to i32
      %cond3A_397 = arith.constant 0 : i32
      %cond3A_398 = arith.cmpi ne, %convert_element_type3A_396, %cond3A_397 : i32
      scf.if %cond3A_398 {
        %dma_start3A_788 = arith.constant 2 : i32
        %dma_start3A_789 = arith.constant 0 : i32
        %dma_start3A_790 = arith.constant 2 : i32
        %dma_start3A_791 = arith.constant 0 : i32
        %dma_start3A_792 = arith.constant 0 : i32
        %dma_start3A_793 = arith.constant 0 : i32
        %dma_start3A_794 = arith.constant 0 : i32
        %dma_start3A_795 = tpu.memref_slice %arg6[%dma_start3A_790, %dma_start3A_792, %dma_start3A_793, %dma_start3A_794] : memref<4x2x200x64xf32, #tpu.memory_space<vmem>> -> memref<1x2x200x64xf32, #tpu.memory_space<vmem>>
        %dma_start3A_796 = tpu.memref_squeeze %dma_start3A_795 : memref<1x2x200x64xf32, #tpu.memory_space<vmem>> -> memref<2x200x64xf32, #tpu.memory_space<vmem>>
        %dma_start3A_797 = arith.constant 0 : i32
        %dma_start3A_798 = arith.constant 0 : i32
        %dma_start3A_799 = tpu.memref_slice %dma_start3A_796[%dma_start3A_791, %dma_start3A_797, %dma_start3A_798] : memref<2x200x64xf32, #tpu.memory_space<vmem>> -> memref<1x200x64xf32, #tpu.memory_space<vmem>>
        %dma_start3A_800 = tpu.memref_squeeze %dma_start3A_799 : memref<1x200x64xf32, #tpu.memory_space<vmem>> -> memref<200x64xf32, #tpu.memory_space<vmem>>
        %dma_start3A_801 = arith.constant 0 : i32
        %dma_start3A_802 = arith.constant 0 : i32
        %dma_start3A_803 = tpu.memref_slice %dma_start3A_800[%dma_start3A_801, %dma_start3A_802] : memref<200x64xf32, #tpu.memory_space<vmem>> -> memref<128x64xf32, #tpu.memory_space<vmem>>
        %dma_start3A_804 = arith.constant 0 : i32
        %dma_start3A_805 = arith.constant 0 : i32
        %dma_start3A_806 = tpu.memref_slice %arg5[%dma_start3A_788, %dma_start3A_804, %dma_start3A_805] : memref<4x2x200xi32, #tpu.memory_space<vmem>> -> memref<1x2x200xi32, #tpu.memory_space<vmem>>
        %dma_start3A_807 = tpu.memref_squeeze %dma_start3A_806 : memref<1x2x200xi32, #tpu.memory_space<vmem>> -> memref<2x200xi32, #tpu.memory_space<vmem>>
        %dma_start3A_808 = arith.constant 0 : i32
        %dma_start3A_809 = tpu.memref_slice %dma_start3A_807[%dma_start3A_789, %dma_start3A_808] : memref<2x200xi32, #tpu.memory_space<vmem>> -> memref<1x200xi32, #tpu.memory_space<vmem>>
        %dma_start3A_810 = tpu.memref_squeeze %dma_start3A_809 : memref<1x200xi32, #tpu.memory_space<vmem>> -> memref<200xi32, #tpu.memory_space<vmem>>
        %dma_start3A_811 = arith.constant 0 : i32
        %dma_start3A_812 = tpu.memref_slice %dma_start3A_810[%dma_start3A_811] : memref<200xi32, #tpu.memory_space<vmem>> -> memref<128xi32, #tpu.memory_space<vmem>>
        %dma_start3A_813 = arith.constant 0 : i32
        %dma_start3A_814 = arith.constant 0 : i32
        %dma_start3A_815 = tpu.memref_slice %arg7[%dma_start3A_813, %dma_start3A_814] : memref<1000x64xf32, #tpu.memory_space<vmem_shared>> -> memref<1000x64xf32, #tpu.memory_space<vmem_shared>>
        tpu.enqueue_indirect_dma source(%dma_start3A_815 : memref<1000x64xf32, #tpu.memory_space<vmem_shared>>) target(%dma_start3A_803 : memref<128x64xf32, #tpu.memory_space<vmem>>) offsets(%dma_start3A_812 : memref<128xi32, #tpu.memory_space<vmem>>) semaphore(%arg10 : memref<!tpu.dma_semaphore, #tpu.memory_space<semaphore_mem>>)
        %dma_start3A_816 = arith.constant 2 : i32
        %dma_start3A_817 = arith.constant 0 : i32
        %dma_start3A_818 = arith.constant 2 : i32
        %dma_start3A_819 = arith.constant 0 : i32
        %dma_start3A_820 = arith.constant 0 : i32
        %dma_start3A_821 = arith.constant 0 : i32
        %dma_start3A_822 = arith.constant 0 : i32
        %dma_start3A_823 = tpu.memref_slice %arg6[%dma_start3A_818, %dma_start3A_820, %dma_start3A_821, %dma_start3A_822] : memref<4x2x200x64xf32, #tpu.memory_space<vmem>> -> memref<1x2x200x64xf32, #tpu.memory_space<vmem>>
        %dma_start3A_824 = tpu.memref_squeeze %dma_start3A_823 : memref<1x2x200x64xf32, #tpu.memory_space<vmem>> -> memref<2x200x64xf32, #tpu.memory_space<vmem>>
        %dma_start3A_825 = arith.constant 0 : i32
        %dma_start3A_826 = arith.constant 0 : i32
        %dma_start3A_827 = tpu.memref_slice %dma_start3A_824[%dma_start3A_819, %dma_start3A_825, %dma_start3A_826] : memref<2x200x64xf32, #tpu.memory_space<vmem>> -> memref<1x200x64xf32, #tpu.memory_space<vmem>>
        %dma_start3A_828 = tpu.memref_squeeze %dma_start3A_827 : memref<1x200x64xf32, #tpu.memory_space<vmem>> -> memref<200x64xf32, #tpu.memory_space<vmem>>
        %dma_start3A_829 = arith.constant 128 : i32
        %dma_start3A_830 = arith.constant 0 : i32
        %dma_start3A_831 = tpu.memref_slice %dma_start3A_828[%dma_start3A_829, %dma_start3A_830] : memref<200x64xf32, #tpu.memory_space<vmem>> -> memref<72x64xf32, #tpu.memory_space<vmem>>
        %dma_start3A_832 = arith.constant 0 : i32
        %dma_start3A_833 = arith.constant 0 : i32
        %dma_start3A_834 = tpu.memref_slice %arg5[%dma_start3A_816, %dma_start3A_832, %dma_start3A_833] : memref<4x2x200xi32, #tpu.memory_space<vmem>> -> memref<1x2x200xi32, #tpu.memory_space<vmem>>
        %dma_start3A_835 = tpu.memref_squeeze %dma_start3A_834 : memref<1x2x200xi32, #tpu.memory_space<vmem>> -> memref<2x200xi32, #tpu.memory_space<vmem>>
        %dma_start3A_836 = arith.constant 0 : i32
        %dma_start3A_837 = tpu.memref_slice %dma_start3A_835[%dma_start3A_817, %dma_start3A_836] : memref<2x200xi32, #tpu.memory_space<vmem>> -> memref<1x200xi32, #tpu.memory_space<vmem>>
        %dma_start3A_838 = tpu.memref_squeeze %dma_start3A_837 : memref<1x200xi32, #tpu.memory_space<vmem>> -> memref<200xi32, #tpu.memory_space<vmem>>
        %dma_start3A_839 = arith.constant 128 : i32
        %dma_start3A_840 = tpu.memref_slice %dma_start3A_838[%dma_start3A_839] : memref<200xi32, #tpu.memory_space<vmem>> -> memref<72xi32, #tpu.memory_space<vmem>>
        %dma_start3A_841 = arith.constant 0 : i32
        %dma_start3A_842 = arith.constant 0 : i32
        %dma_start3A_843 = tpu.memref_slice %arg7[%dma_start3A_841, %dma_start3A_842] : memref<1000x64xf32, #tpu.memory_space<vmem_shared>> -> memref<1000x64xf32, #tpu.memory_space<vmem_shared>>
        tpu.enqueue_indirect_dma source(%dma_start3A_843 : memref<1000x64xf32, #tpu.memory_space<vmem_shared>>) target(%dma_start3A_831 : memref<72x64xf32, #tpu.memory_space<vmem>>) offsets(%dma_start3A_840 : memref<72xi32, #tpu.memory_space<vmem>>) semaphore(%arg10 : memref<!tpu.dma_semaphore, #tpu.memory_space<semaphore_mem>>)
        %dma_start3A_844 = arith.constant 2 : i32
        %dma_start3A_845 = arith.constant 1 : i32
        %dma_start3A_846 = arith.constant 2 : i32
        %dma_start3A_847 = arith.constant 1 : i32
        %dma_start3A_848 = arith.constant 0 : i32
        %dma_start3A_849 = arith.constant 0 : i32
        %dma_start3A_850 = arith.constant 0 : i32
        %dma_start3A_851 = tpu.memref_slice %arg6[%dma_start3A_846, %dma_start3A_848, %dma_start3A_849, %dma_start3A_850] : memref<4x2x200x64xf32, #tpu.memory_space<vmem>> -> memref<1x2x200x64xf32, #tpu.memory_space<vmem>>
        %dma_start3A_852 = tpu.memref_squeeze %dma_start3A_851 : memref<1x2x200x64xf32, #tpu.memory_space<vmem>> -> memref<2x200x64xf32, #tpu.memory_space<vmem>>
        %dma_start3A_853 = arith.constant 0 : i32
        %dma_start3A_854 = arith.constant 0 : i32
        %dma_start3A_855 = tpu.memref_slice %dma_start3A_852[%dma_start3A_847, %dma_start3A_853, %dma_start3A_854] : memref<2x200x64xf32, #tpu.memory_space<vmem>> -> memref<1x200x64xf32, #tpu.memory_space<vmem>>
        %dma_start3A_856 = tpu.memref_squeeze %dma_start3A_855 : memref<1x200x64xf32, #tpu.memory_space<vmem>> -> memref<200x64xf32, #tpu.memory_space<vmem>>
        %dma_start3A_857 = arith.constant 0 : i32
        %dma_start3A_858 = arith.constant 0 : i32
        %dma_start3A_859 = tpu.memref_slice %dma_start3A_856[%dma_start3A_857, %dma_start3A_858] : memref<200x64xf32, #tpu.memory_space<vmem>> -> memref<128x64xf32, #tpu.memory_space<vmem>>
        %dma_start3A_860 = arith.constant 0 : i32
        %dma_start3A_861 = arith.constant 0 : i32
        %dma_start3A_862 = tpu.memref_slice %arg5[%dma_start3A_844, %dma_start3A_860, %dma_start3A_861] : memref<4x2x200xi32, #tpu.memory_space<vmem>> -> memref<1x2x200xi32, #tpu.memory_space<vmem>>
        %dma_start3A_863 = tpu.memref_squeeze %dma_start3A_862 : memref<1x2x200xi32, #tpu.memory_space<vmem>> -> memref<2x200xi32, #tpu.memory_space<vmem>>
        %dma_start3A_864 = arith.constant 0 : i32
        %dma_start3A_865 = tpu.memref_slice %dma_start3A_863[%dma_start3A_845, %dma_start3A_864] : memref<2x200xi32, #tpu.memory_space<vmem>> -> memref<1x200xi32, #tpu.memory_space<vmem>>
        %dma_start3A_866 = tpu.memref_squeeze %dma_start3A_865 : memref<1x200xi32, #tpu.memory_space<vmem>> -> memref<200xi32, #tpu.memory_space<vmem>>
        %dma_start3A_867 = arith.constant 0 : i32
        %dma_start3A_868 = tpu.memref_slice %dma_start3A_866[%dma_start3A_867] : memref<200xi32, #tpu.memory_space<vmem>> -> memref<128xi32, #tpu.memory_space<vmem>>
        %dma_start3A_869 = arith.constant 0 : i32
        %dma_start3A_870 = arith.constant 0 : i32
        %dma_start3A_871 = tpu.memref_slice %arg7[%dma_start3A_869, %dma_start3A_870] : memref<1000x64xf32, #tpu.memory_space<vmem_shared>> -> memref<1000x64xf32, #tpu.memory_space<vmem_shared>>
        tpu.enqueue_indirect_dma source(%dma_start3A_871 : memref<1000x64xf32, #tpu.memory_space<vmem_shared>>) target(%dma_start3A_859 : memref<128x64xf32, #tpu.memory_space<vmem>>) offsets(%dma_start3A_868 : memref<128xi32, #tpu.memory_space<vmem>>) semaphore(%arg10 : memref<!tpu.dma_semaphore, #tpu.memory_space<semaphore_mem>>)
        %dma_start3A_872 = arith.constant 2 : i32
        %dma_start3A_873 = arith.constant 1 : i32
        %dma_start3A_874 = arith.constant 2 : i32
        %dma_start3A_875 = arith.constant 1 : i32
        %dma_start3A_876 = arith.constant 0 : i32
        %dma_start3A_877 = arith.constant 0 : i32
        %dma_start3A_878 = arith.constant 0 : i32
        %dma_start3A_879 = tpu.memref_slice %arg6[%dma_start3A_874, %dma_start3A_876, %dma_start3A_877, %dma_start3A_878] : memref<4x2x200x64xf32, #tpu.memory_space<vmem>> -> memref<1x2x200x64xf32, #tpu.memory_space<vmem>>
        %dma_start3A_880 = tpu.memref_squeeze %dma_start3A_879 : memref<1x2x200x64xf32, #tpu.memory_space<vmem>> -> memref<2x200x64xf32, #tpu.memory_space<vmem>>
        %dma_start3A_881 = arith.constant 0 : i32
        %dma_start3A_882 = arith.constant 0 : i32
        %dma_start3A_883 = tpu.memref_slice %dma_start3A_880[%dma_start3A_875, %dma_start3A_881, %dma_start3A_882] : memref<2x200x64xf32, #tpu.memory_space<vmem>> -> memref<1x200x64xf32, #tpu.memory_space<vmem>>
        %dma_start3A_884 = tpu.memref_squeeze %dma_start3A_883 : memref<1x200x64xf32, #tpu.memory_space<vmem>> -> memref<200x64xf32, #tpu.memory_space<vmem>>
        %dma_start3A_885 = arith.constant 128 : i32
        %dma_start3A_886 = arith.constant 0 : i32
        %dma_start3A_887 = tpu.memref_slice %dma_start3A_884[%dma_start3A_885, %dma_start3A_886] : memref<200x64xf32, #tpu.memory_space<vmem>> -> memref<72x64xf32, #tpu.memory_space<vmem>>
        %dma_start3A_888 = arith.constant 0 : i32
        %dma_start3A_889 = arith.constant 0 : i32
        %dma_start3A_890 = tpu.memref_slice %arg5[%dma_start3A_872, %dma_start3A_888, %dma_start3A_889] : memref<4x2x200xi32, #tpu.memory_space<vmem>> -> memref<1x2x200xi32, #tpu.memory_space<vmem>>
        %dma_start3A_891 = tpu.memref_squeeze %dma_start3A_890 : memref<1x2x200xi32, #tpu.memory_space<vmem>> -> memref<2x200xi32, #tpu.memory_space<vmem>>
        %dma_start3A_892 = arith.constant 0 : i32
        %dma_start3A_893 = tpu.memref_slice %dma_start3A_891[%dma_start3A_873, %dma_start3A_892] : memref<2x200xi32, #tpu.memory_space<vmem>> -> memref<1x200xi32, #tpu.memory_space<vmem>>
        %dma_start3A_894 = tpu.memref_squeeze %dma_start3A_893 : memref<1x200xi32, #tpu.memory_space<vmem>> -> memref<200xi32, #tpu.memory_space<vmem>>
        %dma_start3A_895 = arith.constant 128 : i32
        %dma_start3A_896 = tpu.memref_slice %dma_start3A_894[%dma_start3A_895] : memref<200xi32, #tpu.memory_space<vmem>> -> memref<72xi32, #tpu.memory_space<vmem>>
        %dma_start3A_897 = arith.constant 0 : i32
        %dma_start3A_898 = arith.constant 0 : i32
        %dma_start3A_899 = tpu.memref_slice %arg7[%dma_start3A_897, %dma_start3A_898] : memref<1000x64xf32, #tpu.memory_space<vmem_shared>> -> memref<1000x64xf32, #tpu.memory_space<vmem_shared>>
        tpu.enqueue_indirect_dma source(%dma_start3A_899 : memref<1000x64xf32, #tpu.memory_space<vmem_shared>>) target(%dma_start3A_887 : memref<72x64xf32, #tpu.memory_space<vmem>>) offsets(%dma_start3A_896 : memref<72xi32, #tpu.memory_space<vmem>>) semaphore(%arg10 : memref<!tpu.dma_semaphore, #tpu.memory_space<semaphore_mem>>)
      } else {
      }
      %add3A_399 = arith.constant 3 : i32
      %add3A_400 = arith.addi %mul3A_318, %add3A_399 : i32
      %mul3A_401 = arith.constant 2 : i32
      %mul3A_402 = arith.muli %add3A_400, %mul3A_401 : i32
      %add3A_403 = arith.addi %mul3A_2, %mul3A_402 : i32
      %dma_start3A_404 = arith.constant 3 : i32
      %dma_start3A_405 = arith.constant 0 : i32
      %dma_start3A_406 = arith.constant 0 : i32
      %dma_start3A_407 = tpu.memref_slice %arg5[%dma_start3A_404, %dma_start3A_405, %dma_start3A_406] : memref<4x2x200xi32, #tpu.memory_space<vmem>> -> memref<1x2x200xi32, #tpu.memory_space<vmem>>
      %dma_start3A_408 = tpu.memref_squeeze %dma_start3A_407 : memref<1x2x200xi32, #tpu.memory_space<vmem>> -> memref<2x200xi32, #tpu.memory_space<vmem>>
      %dma_start3A_409 = arith.constant 0 : i32
      %dma_start3A_410 = tpu.memref_slice %arg2[%add3A_403, %dma_start3A_409] : memref<16384x200xi32, #tpu.memory_space<hbm>> -> memref<2x200xi32, #tpu.memory_space<hbm>>
      %dma_start3A_411 = arith.constant 0 : i32
      %dma_start3A_412 = arith.constant 0 : i32
      %dma_start3A_413 = tpu.memref_slice %arg5[%dma_start3A_404, %dma_start3A_411, %dma_start3A_412] : memref<4x2x200xi32, #tpu.memory_space<vmem>> -> memref<1x2x200xi32, #tpu.memory_space<vmem>>
      %dma_start3A_414 = tpu.memref_squeeze %dma_start3A_413 : memref<1x2x200xi32, #tpu.memory_space<vmem>> -> memref<2x200xi32, #tpu.memory_space<vmem>>
      %dma_start3A_415 = arith.constant 0 : i32
      %dma_start3A_416 = tpu.memref_slice %arg2[%add3A_403, %dma_start3A_415] : memref<16384x200xi32, #tpu.memory_space<hbm>> -> memref<2x200xi32, #tpu.memory_space<hbm>>
      tpu.enqueue_dma source(%dma_start3A_416 : memref<2x200xi32, #tpu.memory_space<hbm>>) target(%dma_start3A_414 : memref<2x200xi32, #tpu.memory_space<vmem>>) target_semaphore(%arg19 : memref<!tpu.dma_semaphore, #tpu.memory_space<semaphore_mem>>)
      %dma_wait3A_417 = arith.constant 1 : i32
      %dma_wait3A_418 = arith.constant 0 : i32
      %dma_wait3A_419 = arith.constant 0 : i32
      %dma_wait3A_420 = arith.constant 0 : i32
      %dma_wait3A_421 = arith.constant 0 : i32
      %dma_wait3A_422 = tpu.memref_slice %arg6[%dma_wait3A_417, %dma_wait3A_419, %dma_wait3A_420, %dma_wait3A_421] : memref<4x2x200x64xf32, #tpu.memory_space<vmem>> -> memref<1x2x200x64xf32, #tpu.memory_space<vmem>>
      %dma_wait3A_423 = tpu.memref_squeeze %dma_wait3A_422 : memref<1x2x200x64xf32, #tpu.memory_space<vmem>> -> memref<2x200x64xf32, #tpu.memory_space<vmem>>
      %dma_wait3A_424 = arith.constant 0 : i32
      %dma_wait3A_425 = arith.constant 0 : i32
      %dma_wait3A_426 = tpu.memref_slice %dma_wait3A_423[%dma_wait3A_418, %dma_wait3A_424, %dma_wait3A_425] : memref<2x200x64xf32, #tpu.memory_space<vmem>> -> memref<1x200x64xf32, #tpu.memory_space<vmem>>
      %dma_wait3A_427 = tpu.memref_squeeze %dma_wait3A_426 : memref<1x200x64xf32, #tpu.memory_space<vmem>> -> memref<200x64xf32, #tpu.memory_space<vmem>>
      %dma_wait3A_428 = arith.constant 0 : i32
      %dma_wait3A_429 = arith.constant 0 : i32
      %dma_wait3A_430 = tpu.memref_slice %arg3[%dma_wait3A_428, %dma_wait3A_429] : memref<1000x64xf32, #tpu.memory_space<hbm>> -> memref<200x64xf32, #tpu.memory_space<hbm>>
      %dma_wait3A_431 = arith.constant 0 : i32
      %dma_wait3A_432 = arith.constant 0 : i32
      %dma_wait3A_433 = arith.constant 0 : i32
      %dma_wait3A_434 = tpu.memref_slice %arg6[%dma_wait3A_417, %dma_wait3A_431, %dma_wait3A_432, %dma_wait3A_433] : memref<4x2x200x64xf32, #tpu.memory_space<vmem>> -> memref<1x2x200x64xf32, #tpu.memory_space<vmem>>
      %dma_wait3A_435 = tpu.memref_squeeze %dma_wait3A_434 : memref<1x2x200x64xf32, #tpu.memory_space<vmem>> -> memref<2x200x64xf32, #tpu.memory_space<vmem>>
      %dma_wait3A_436 = arith.constant 0 : i32
      %dma_wait3A_437 = arith.constant 0 : i32
      %dma_wait3A_438 = tpu.memref_slice %dma_wait3A_435[%dma_wait3A_418, %dma_wait3A_436, %dma_wait3A_437] : memref<2x200x64xf32, #tpu.memory_space<vmem>> -> memref<1x200x64xf32, #tpu.memory_space<vmem>>
      %dma_wait3A_439 = tpu.memref_squeeze %dma_wait3A_438 : memref<1x200x64xf32, #tpu.memory_space<vmem>> -> memref<200x64xf32, #tpu.memory_space<vmem>>
      %dma_wait3A_440 = arith.constant 0 : i32
      %dma_wait3A_441 = arith.constant 0 : i32
      %dma_wait3A_442 = tpu.memref_slice %arg3[%dma_wait3A_440, %dma_wait3A_441] : memref<1000x64xf32, #tpu.memory_space<hbm>> -> memref<200x64xf32, #tpu.memory_space<hbm>>
      tpu.wait_dma2 semaphore(%arg9 : memref<!tpu.dma_semaphore, #tpu.memory_space<semaphore_mem>>) src(%dma_wait3A_442 : memref<200x64xf32, #tpu.memory_space<hbm>>) dst(%dma_wait3A_439 : memref<200x64xf32, #tpu.memory_space<vmem>>)
      %dma_wait3A_443 = arith.constant 1 : i32
      %dma_wait3A_444 = arith.constant 1 : i32
      %dma_wait3A_445 = arith.constant 0 : i32
      %dma_wait3A_446 = arith.constant 0 : i32
      %dma_wait3A_447 = arith.constant 0 : i32
      %dma_wait3A_448 = tpu.memref_slice %arg6[%dma_wait3A_443, %dma_wait3A_445, %dma_wait3A_446, %dma_wait3A_447] : memref<4x2x200x64xf32, #tpu.memory_space<vmem>> -> memref<1x2x200x64xf32, #tpu.memory_space<vmem>>
      %dma_wait3A_449 = tpu.memref_squeeze %dma_wait3A_448 : memref<1x2x200x64xf32, #tpu.memory_space<vmem>> -> memref<2x200x64xf32, #tpu.memory_space<vmem>>
      %dma_wait3A_450 = arith.constant 0 : i32
      %dma_wait3A_451 = arith.constant 0 : i32
      %dma_wait3A_452 = tpu.memref_slice %dma_wait3A_449[%dma_wait3A_444, %dma_wait3A_450, %dma_wait3A_451] : memref<2x200x64xf32, #tpu.memory_space<vmem>> -> memref<1x200x64xf32, #tpu.memory_space<vmem>>
      %dma_wait3A_453 = tpu.memref_squeeze %dma_wait3A_452 : memref<1x200x64xf32, #tpu.memory_space<vmem>> -> memref<200x64xf32, #tpu.memory_space<vmem>>
      %dma_wait3A_454 = arith.constant 0 : i32
      %dma_wait3A_455 = arith.constant 0 : i32
      %dma_wait3A_456 = tpu.memref_slice %arg3[%dma_wait3A_454, %dma_wait3A_455] : memref<1000x64xf32, #tpu.memory_space<hbm>> -> memref<200x64xf32, #tpu.memory_space<hbm>>
      %dma_wait3A_457 = arith.constant 0 : i32
      %dma_wait3A_458 = arith.constant 0 : i32
      %dma_wait3A_459 = arith.constant 0 : i32
      %dma_wait3A_460 = tpu.memref_slice %arg6[%dma_wait3A_443, %dma_wait3A_457, %dma_wait3A_458, %dma_wait3A_459] : memref<4x2x200x64xf32, #tpu.memory_space<vmem>> -> memref<1x2x200x64xf32, #tpu.memory_space<vmem>>
      %dma_wait3A_461 = tpu.memref_squeeze %dma_wait3A_460 : memref<1x2x200x64xf32, #tpu.memory_space<vmem>> -> memref<2x200x64xf32, #tpu.memory_space<vmem>>
      %dma_wait3A_462 = arith.constant 0 : i32
      %dma_wait3A_463 = arith.constant 0 : i32
      %dma_wait3A_464 = tpu.memref_slice %dma_wait3A_461[%dma_wait3A_444, %dma_wait3A_462, %dma_wait3A_463] : memref<2x200x64xf32, #tpu.memory_space<vmem>> -> memref<1x200x64xf32, #tpu.memory_space<vmem>>
      %dma_wait3A_465 = tpu.memref_squeeze %dma_wait3A_464 : memref<1x200x64xf32, #tpu.memory_space<vmem>> -> memref<200x64xf32, #tpu.memory_space<vmem>>
      %dma_wait3A_466 = arith.constant 0 : i32
      %dma_wait3A_467 = arith.constant 0 : i32
      %dma_wait3A_468 = tpu.memref_slice %arg3[%dma_wait3A_466, %dma_wait3A_467] : memref<1000x64xf32, #tpu.memory_space<hbm>> -> memref<200x64xf32, #tpu.memory_space<hbm>>
      tpu.wait_dma2 semaphore(%arg9 : memref<!tpu.dma_semaphore, #tpu.memory_space<semaphore_mem>>) src(%dma_wait3A_468 : memref<200x64xf32, #tpu.memory_space<hbm>>) dst(%dma_wait3A_465 : memref<200x64xf32, #tpu.memory_space<vmem>>)
      %add3A_469 = arith.constant 1 : i32
      %add3A_470 = arith.addi %mul3A_318, %add3A_469 : i32
      %mul3A_471 = arith.constant 2 : i32
      %mul3A_472 = arith.muli %add3A_470, %mul3A_471 : i32
      %add3A_473 = arith.addi %mul3A_2, %mul3A_472 : i32
      %dma_start3A_474 = arith.constant 1 : i32
      %dma_start3A_475 = arith.constant 0 : i32
      %dma_start3A_476 = arith.constant 0 : i32
      %dma_start3A_477 = arith.constant 0 : i32
      %dma_start3A_478 = tpu.memref_slice %arg6[%dma_start3A_474, %dma_start3A_475, %dma_start3A_476, %dma_start3A_477] : memref<4x2x200x64xf32, #tpu.memory_space<vmem>> -> memref<1x2x200x64xf32, #tpu.memory_space<vmem>>
      %dma_start3A_479 = tpu.memref_squeeze %dma_start3A_478 : memref<1x2x200x64xf32, #tpu.memory_space<vmem>> -> memref<2x200x64xf32, #tpu.memory_space<vmem>>
      %dma_start3A_480 = arith.constant 0 : i32
      %dma_start3A_481 = arith.constant 0 : i32
      %dma_start3A_482 = tpu.memref_slice %arg4[%add3A_473, %dma_start3A_480, %dma_start3A_481] : memref<16384x200x64xf32, #tpu.memory_space<hbm>> -> memref<2x200x64xf32, #tpu.memory_space<hbm>>
      %dma_start3A_483 = arith.constant 0 : i32
      %dma_start3A_484 = arith.constant 0 : i32
      %dma_start3A_485 = tpu.memref_slice %arg4[%add3A_473, %dma_start3A_483, %dma_start3A_484] : memref<16384x200x64xf32, #tpu.memory_space<hbm>> -> memref<2x200x64xf32, #tpu.memory_space<hbm>>
      %dma_start3A_486 = arith.constant 0 : i32
      %dma_start3A_487 = arith.constant 0 : i32
      %dma_start3A_488 = arith.constant 0 : i32
      %dma_start3A_489 = tpu.memref_slice %arg6[%dma_start3A_474, %dma_start3A_486, %dma_start3A_487, %dma_start3A_488] : memref<4x2x200x64xf32, #tpu.memory_space<vmem>> -> memref<1x2x200x64xf32, #tpu.memory_space<vmem>>
      %dma_start3A_490 = tpu.memref_squeeze %dma_start3A_489 : memref<1x2x200x64xf32, #tpu.memory_space<vmem>> -> memref<2x200x64xf32, #tpu.memory_space<vmem>>
      tpu.enqueue_dma source(%dma_start3A_490 : memref<2x200x64xf32, #tpu.memory_space<vmem>>) target(%dma_start3A_485 : memref<2x200x64xf32, #tpu.memory_space<hbm>>) target_semaphore(%arg13 : memref<!tpu.dma_semaphore, #tpu.memory_space<semaphore_mem>>)
      %ge3A_491 = arith.constant 1 : i32
      %ge3A_492 = arith.cmpi sge, %scan3A_316, %ge3A_491 : i32
      %convert_element_type3A_493 = arith.extui %ge3A_492 : i1 to i32
      %cond3A_494 = arith.constant 0 : i32
      %cond3A_495 = arith.cmpi ne, %convert_element_type3A_493, %cond3A_494 : i32
      scf.if %cond3A_495 {
        %dma_wait3A_788 = arith.constant 3 : i32
        %dma_wait3A_789 = arith.constant 0 : i32
        %dma_wait3A_790 = arith.constant 0 : i32
        %dma_wait3A_791 = arith.constant 0 : i32
        %dma_wait3A_792 = tpu.memref_slice %arg6[%dma_wait3A_788, %dma_wait3A_789, %dma_wait3A_790, %dma_wait3A_791] : memref<4x2x200x64xf32, #tpu.memory_space<vmem>> -> memref<1x2x200x64xf32, #tpu.memory_space<vmem>>
        %dma_wait3A_793 = tpu.memref_squeeze %dma_wait3A_792 : memref<1x2x200x64xf32, #tpu.memory_space<vmem>> -> memref<2x200x64xf32, #tpu.memory_space<vmem>>
        %dma_wait3A_794 = arith.constant 0 : i32
        %dma_wait3A_795 = arith.constant 0 : i32
        %dma_wait3A_796 = arith.constant 0 : i32
        %dma_wait3A_797 = tpu.memref_slice %arg4[%dma_wait3A_794, %dma_wait3A_795, %dma_wait3A_796] : memref<16384x200x64xf32, #tpu.memory_space<hbm>> -> memref<2x200x64xf32, #tpu.memory_space<hbm>>
        %dma_wait3A_798 = arith.constant 0 : i32
        %dma_wait3A_799 = arith.constant 0 : i32
        %dma_wait3A_800 = arith.constant 0 : i32
        %dma_wait3A_801 = tpu.memref_slice %arg6[%dma_wait3A_788, %dma_wait3A_798, %dma_wait3A_799, %dma_wait3A_800] : memref<4x2x200x64xf32, #tpu.memory_space<vmem>> -> memref<1x2x200x64xf32, #tpu.memory_space<vmem>>
        %dma_wait3A_802 = tpu.memref_squeeze %dma_wait3A_801 : memref<1x2x200x64xf32, #tpu.memory_space<vmem>> -> memref<2x200x64xf32, #tpu.memory_space<vmem>>
        %dma_wait3A_803 = arith.constant 0 : i32
        %dma_wait3A_804 = arith.constant 0 : i32
        %dma_wait3A_805 = arith.constant 0 : i32
        %dma_wait3A_806 = tpu.memref_slice %arg4[%dma_wait3A_803, %dma_wait3A_804, %dma_wait3A_805] : memref<16384x200x64xf32, #tpu.memory_space<hbm>> -> memref<2x200x64xf32, #tpu.memory_space<hbm>>
        tpu.wait_dma2 semaphore(%arg15 : memref<!tpu.dma_semaphore, #tpu.memory_space<semaphore_mem>>) src(%dma_wait3A_806 : memref<2x200x64xf32, #tpu.memory_space<hbm>>) dst(%dma_wait3A_802 : memref<2x200x64xf32, #tpu.memory_space<vmem>>)
      } else {
      }
      %dma_wait3A_496 = arith.constant 3 : i32
      %dma_wait3A_497 = arith.constant 0 : i32
      %dma_wait3A_498 = arith.constant 0 : i32
      %dma_wait3A_499 = tpu.memref_slice %arg5[%dma_wait3A_496, %dma_wait3A_497, %dma_wait3A_498] : memref<4x2x200xi32, #tpu.memory_space<vmem>> -> memref<1x2x200xi32, #tpu.memory_space<vmem>>
      %dma_wait3A_500 = tpu.memref_squeeze %dma_wait3A_499 : memref<1x2x200xi32, #tpu.memory_space<vmem>> -> memref<2x200xi32, #tpu.memory_space<vmem>>
      %dma_wait3A_501 = arith.constant 0 : i32
      %dma_wait3A_502 = arith.constant 0 : i32
      %dma_wait3A_503 = tpu.memref_slice %arg2[%dma_wait3A_501, %dma_wait3A_502] : memref<16384x200xi32, #tpu.memory_space<hbm>> -> memref<2x200xi32, #tpu.memory_space<hbm>>
      %dma_wait3A_504 = arith.constant 0 : i32
      %dma_wait3A_505 = arith.constant 0 : i32
      %dma_wait3A_506 = tpu.memref_slice %arg5[%dma_wait3A_496, %dma_wait3A_504, %dma_wait3A_505] : memref<4x2x200xi32, #tpu.memory_space<vmem>> -> memref<1x2x200xi32, #tpu.memory_space<vmem>>
      %dma_wait3A_507 = tpu.memref_squeeze %dma_wait3A_506 : memref<1x2x200xi32, #tpu.memory_space<vmem>> -> memref<2x200xi32, #tpu.memory_space<vmem>>
      %dma_wait3A_508 = arith.constant 0 : i32
      %dma_wait3A_509 = arith.constant 0 : i32
      %dma_wait3A_510 = tpu.memref_slice %arg2[%dma_wait3A_508, %dma_wait3A_509] : memref<16384x200xi32, #tpu.memory_space<hbm>> -> memref<2x200xi32, #tpu.memory_space<hbm>>
      tpu.wait_dma2 semaphore(%arg19 : memref<!tpu.dma_semaphore, #tpu.memory_space<semaphore_mem>>) src(%dma_wait3A_510 : memref<2x200xi32, #tpu.memory_space<hbm>>) dst(%dma_wait3A_507 : memref<2x200xi32, #tpu.memory_space<vmem>>)
      %add3A_511 = arith.constant 3 : i32
      %add3A_512 = arith.addi %mul3A_318, %add3A_511 : i32
      %dma_start3A_513 = arith.constant 3 : i32
      %dma_start3A_514 = arith.constant 0 : i32
      %dma_start3A_515 = arith.constant 3 : i32
      %dma_start3A_516 = arith.constant 0 : i32
      %dma_start3A_517 = arith.constant 0 : i32
      %dma_start3A_518 = arith.constant 0 : i32
      %dma_start3A_519 = arith.constant 0 : i32
      %dma_start3A_520 = tpu.memref_slice %arg6[%dma_start3A_515, %dma_start3A_517, %dma_start3A_518, %dma_start3A_519] : memref<4x2x200x64xf32, #tpu.memory_space<vmem>> -> memref<1x2x200x64xf32, #tpu.memory_space<vmem>>
      %dma_start3A_521 = tpu.memref_squeeze %dma_start3A_520 : memref<1x2x200x64xf32, #tpu.memory_space<vmem>> -> memref<2x200x64xf32, #tpu.memory_space<vmem>>
      %dma_start3A_522 = arith.constant 0 : i32
      %dma_start3A_523 = arith.constant 0 : i32
      %dma_start3A_524 = tpu.memref_slice %dma_start3A_521[%dma_start3A_516, %dma_start3A_522, %dma_start3A_523] : memref<2x200x64xf32, #tpu.memory_space<vmem>> -> memref<1x200x64xf32, #tpu.memory_space<vmem>>
      %dma_start3A_525 = tpu.memref_squeeze %dma_start3A_524 : memref<1x200x64xf32, #tpu.memory_space<vmem>> -> memref<200x64xf32, #tpu.memory_space<vmem>>
      %dma_start3A_526 = arith.constant 0 : i32
      %dma_start3A_527 = arith.constant 0 : i32
      %dma_start3A_528 = tpu.memref_slice %dma_start3A_525[%dma_start3A_526, %dma_start3A_527] : memref<200x64xf32, #tpu.memory_space<vmem>> -> memref<128x64xf32, #tpu.memory_space<vmem>>
      %dma_start3A_529 = arith.constant 0 : i32
      %dma_start3A_530 = arith.constant 0 : i32
      %dma_start3A_531 = tpu.memref_slice %arg5[%dma_start3A_513, %dma_start3A_529, %dma_start3A_530] : memref<4x2x200xi32, #tpu.memory_space<vmem>> -> memref<1x2x200xi32, #tpu.memory_space<vmem>>
      %dma_start3A_532 = tpu.memref_squeeze %dma_start3A_531 : memref<1x2x200xi32, #tpu.memory_space<vmem>> -> memref<2x200xi32, #tpu.memory_space<vmem>>
      %dma_start3A_533 = arith.constant 0 : i32
      %dma_start3A_534 = tpu.memref_slice %dma_start3A_532[%dma_start3A_514, %dma_start3A_533] : memref<2x200xi32, #tpu.memory_space<vmem>> -> memref<1x200xi32, #tpu.memory_space<vmem>>
      %dma_start3A_535 = tpu.memref_squeeze %dma_start3A_534 : memref<1x200xi32, #tpu.memory_space<vmem>> -> memref<200xi32, #tpu.memory_space<vmem>>
      %dma_start3A_536 = arith.constant 0 : i32
      %dma_start3A_537 = tpu.memref_slice %dma_start3A_535[%dma_start3A_536] : memref<200xi32, #tpu.memory_space<vmem>> -> memref<128xi32, #tpu.memory_space<vmem>>
      %dma_start3A_538 = arith.constant 0 : i32
      %dma_start3A_539 = arith.constant 0 : i32
      %dma_start3A_540 = tpu.memref_slice %arg7[%dma_start3A_538, %dma_start3A_539] : memref<1000x64xf32, #tpu.memory_space<vmem_shared>> -> memref<1000x64xf32, #tpu.memory_space<vmem_shared>>
      tpu.enqueue_indirect_dma source(%dma_start3A_540 : memref<1000x64xf32, #tpu.memory_space<vmem_shared>>) target(%dma_start3A_528 : memref<128x64xf32, #tpu.memory_space<vmem>>) offsets(%dma_start3A_537 : memref<128xi32, #tpu.memory_space<vmem>>) semaphore(%arg11 : memref<!tpu.dma_semaphore, #tpu.memory_space<semaphore_mem>>)
      %dma_start3A_541 = arith.constant 3 : i32
      %dma_start3A_542 = arith.constant 0 : i32
      %dma_start3A_543 = arith.constant 3 : i32
      %dma_start3A_544 = arith.constant 0 : i32
      %dma_start3A_545 = arith.constant 0 : i32
      %dma_start3A_546 = arith.constant 0 : i32
      %dma_start3A_547 = arith.constant 0 : i32
      %dma_start3A_548 = tpu.memref_slice %arg6[%dma_start3A_543, %dma_start3A_545, %dma_start3A_546, %dma_start3A_547] : memref<4x2x200x64xf32, #tpu.memory_space<vmem>> -> memref<1x2x200x64xf32, #tpu.memory_space<vmem>>
      %dma_start3A_549 = tpu.memref_squeeze %dma_start3A_548 : memref<1x2x200x64xf32, #tpu.memory_space<vmem>> -> memref<2x200x64xf32, #tpu.memory_space<vmem>>
      %dma_start3A_550 = arith.constant 0 : i32
      %dma_start3A_551 = arith.constant 0 : i32
      %dma_start3A_552 = tpu.memref_slice %dma_start3A_549[%dma_start3A_544, %dma_start3A_550, %dma_start3A_551] : memref<2x200x64xf32, #tpu.memory_space<vmem>> -> memref<1x200x64xf32, #tpu.memory_space<vmem>>
      %dma_start3A_553 = tpu.memref_squeeze %dma_start3A_552 : memref<1x200x64xf32, #tpu.memory_space<vmem>> -> memref<200x64xf32, #tpu.memory_space<vmem>>
      %dma_start3A_554 = arith.constant 128 : i32
      %dma_start3A_555 = arith.constant 0 : i32
      %dma_start3A_556 = tpu.memref_slice %dma_start3A_553[%dma_start3A_554, %dma_start3A_555] : memref<200x64xf32, #tpu.memory_space<vmem>> -> memref<72x64xf32, #tpu.memory_space<vmem>>
      %dma_start3A_557 = arith.constant 0 : i32
      %dma_start3A_558 = arith.constant 0 : i32
      %dma_start3A_559 = tpu.memref_slice %arg5[%dma_start3A_541, %dma_start3A_557, %dma_start3A_558] : memref<4x2x200xi32, #tpu.memory_space<vmem>> -> memref<1x2x200xi32, #tpu.memory_space<vmem>>
      %dma_start3A_560 = tpu.memref_squeeze %dma_start3A_559 : memref<1x2x200xi32, #tpu.memory_space<vmem>> -> memref<2x200xi32, #tpu.memory_space<vmem>>
      %dma_start3A_561 = arith.constant 0 : i32
      %dma_start3A_562 = tpu.memref_slice %dma_start3A_560[%dma_start3A_542, %dma_start3A_561] : memref<2x200xi32, #tpu.memory_space<vmem>> -> memref<1x200xi32, #tpu.memory_space<vmem>>
      %dma_start3A_563 = tpu.memref_squeeze %dma_start3A_562 : memref<1x200xi32, #tpu.memory_space<vmem>> -> memref<200xi32, #tpu.memory_space<vmem>>
      %dma_start3A_564 = arith.constant 128 : i32
      %dma_start3A_565 = tpu.memref_slice %dma_start3A_563[%dma_start3A_564] : memref<200xi32, #tpu.memory_space<vmem>> -> memref<72xi32, #tpu.memory_space<vmem>>
      %dma_start3A_566 = arith.constant 0 : i32
      %dma_start3A_567 = arith.constant 0 : i32
      %dma_start3A_568 = tpu.memref_slice %arg7[%dma_start3A_566, %dma_start3A_567] : memref<1000x64xf32, #tpu.memory_space<vmem_shared>> -> memref<1000x64xf32, #tpu.memory_space<vmem_shared>>
      tpu.enqueue_indirect_dma source(%dma_start3A_568 : memref<1000x64xf32, #tpu.memory_space<vmem_shared>>) target(%dma_start3A_556 : memref<72x64xf32, #tpu.memory_space<vmem>>) offsets(%dma_start3A_565 : memref<72xi32, #tpu.memory_space<vmem>>) semaphore(%arg11 : memref<!tpu.dma_semaphore, #tpu.memory_space<semaphore_mem>>)
      %dma_start3A_569 = arith.constant 3 : i32
      %dma_start3A_570 = arith.constant 1 : i32
      %dma_start3A_571 = arith.constant 3 : i32
      %dma_start3A_572 = arith.constant 1 : i32
      %dma_start3A_573 = arith.constant 0 : i32
      %dma_start3A_574 = arith.constant 0 : i32
      %dma_start3A_575 = arith.constant 0 : i32
      %dma_start3A_576 = tpu.memref_slice %arg6[%dma_start3A_571, %dma_start3A_573, %dma_start3A_574, %dma_start3A_575] : memref<4x2x200x64xf32, #tpu.memory_space<vmem>> -> memref<1x2x200x64xf32, #tpu.memory_space<vmem>>
      %dma_start3A_577 = tpu.memref_squeeze %dma_start3A_576 : memref<1x2x200x64xf32, #tpu.memory_space<vmem>> -> memref<2x200x64xf32, #tpu.memory_space<vmem>>
      %dma_start3A_578 = arith.constant 0 : i32
      %dma_start3A_579 = arith.constant 0 : i32
      %dma_start3A_580 = tpu.memref_slice %dma_start3A_577[%dma_start3A_572, %dma_start3A_578, %dma_start3A_579] : memref<2x200x64xf32, #tpu.memory_space<vmem>> -> memref<1x200x64xf32, #tpu.memory_space<vmem>>
      %dma_start3A_581 = tpu.memref_squeeze %dma_start3A_580 : memref<1x200x64xf32, #tpu.memory_space<vmem>> -> memref<200x64xf32, #tpu.memory_space<vmem>>
      %dma_start3A_582 = arith.constant 0 : i32
      %dma_start3A_583 = arith.constant 0 : i32
      %dma_start3A_584 = tpu.memref_slice %dma_start3A_581[%dma_start3A_582, %dma_start3A_583] : memref<200x64xf32, #tpu.memory_space<vmem>> -> memref<128x64xf32, #tpu.memory_space<vmem>>
      %dma_start3A_585 = arith.constant 0 : i32
      %dma_start3A_586 = arith.constant 0 : i32
      %dma_start3A_587 = tpu.memref_slice %arg5[%dma_start3A_569, %dma_start3A_585, %dma_start3A_586] : memref<4x2x200xi32, #tpu.memory_space<vmem>> -> memref<1x2x200xi32, #tpu.memory_space<vmem>>
      %dma_start3A_588 = tpu.memref_squeeze %dma_start3A_587 : memref<1x2x200xi32, #tpu.memory_space<vmem>> -> memref<2x200xi32, #tpu.memory_space<vmem>>
      %dma_start3A_589 = arith.constant 0 : i32
      %dma_start3A_590 = tpu.memref_slice %dma_start3A_588[%dma_start3A_570, %dma_start3A_589] : memref<2x200xi32, #tpu.memory_space<vmem>> -> memref<1x200xi32, #tpu.memory_space<vmem>>
      %dma_start3A_591 = tpu.memref_squeeze %dma_start3A_590 : memref<1x200xi32, #tpu.memory_space<vmem>> -> memref<200xi32, #tpu.memory_space<vmem>>
      %dma_start3A_592 = arith.constant 0 : i32
      %dma_start3A_593 = tpu.memref_slice %dma_start3A_591[%dma_start3A_592] : memref<200xi32, #tpu.memory_space<vmem>> -> memref<128xi32, #tpu.memory_space<vmem>>
      %dma_start3A_594 = arith.constant 0 : i32
      %dma_start3A_595 = arith.constant 0 : i32
      %dma_start3A_596 = tpu.memref_slice %arg7[%dma_start3A_594, %dma_start3A_595] : memref<1000x64xf32, #tpu.memory_space<vmem_shared>> -> memref<1000x64xf32, #tpu.memory_space<vmem_shared>>
      tpu.enqueue_indirect_dma source(%dma_start3A_596 : memref<1000x64xf32, #tpu.memory_space<vmem_shared>>) target(%dma_start3A_584 : memref<128x64xf32, #tpu.memory_space<vmem>>) offsets(%dma_start3A_593 : memref<128xi32, #tpu.memory_space<vmem>>) semaphore(%arg11 : memref<!tpu.dma_semaphore, #tpu.memory_space<semaphore_mem>>)
      %dma_start3A_597 = arith.constant 3 : i32
      %dma_start3A_598 = arith.constant 1 : i32
      %dma_start3A_599 = arith.constant 3 : i32
      %dma_start3A_600 = arith.constant 1 : i32
      %dma_start3A_601 = arith.constant 0 : i32
      %dma_start3A_602 = arith.constant 0 : i32
      %dma_start3A_603 = arith.constant 0 : i32
      %dma_start3A_604 = tpu.memref_slice %arg6[%dma_start3A_599, %dma_start3A_601, %dma_start3A_602, %dma_start3A_603] : memref<4x2x200x64xf32, #tpu.memory_space<vmem>> -> memref<1x2x200x64xf32, #tpu.memory_space<vmem>>
      %dma_start3A_605 = tpu.memref_squeeze %dma_start3A_604 : memref<1x2x200x64xf32, #tpu.memory_space<vmem>> -> memref<2x200x64xf32, #tpu.memory_space<vmem>>
      %dma_start3A_606 = arith.constant 0 : i32
      %dma_start3A_607 = arith.constant 0 : i32
      %dma_start3A_608 = tpu.memref_slice %dma_start3A_605[%dma_start3A_600, %dma_start3A_606, %dma_start3A_607] : memref<2x200x64xf32, #tpu.memory_space<vmem>> -> memref<1x200x64xf32, #tpu.memory_space<vmem>>
      %dma_start3A_609 = tpu.memref_squeeze %dma_start3A_608 : memref<1x200x64xf32, #tpu.memory_space<vmem>> -> memref<200x64xf32, #tpu.memory_space<vmem>>
      %dma_start3A_610 = arith.constant 128 : i32
      %dma_start3A_611 = arith.constant 0 : i32
      %dma_start3A_612 = tpu.memref_slice %dma_start3A_609[%dma_start3A_610, %dma_start3A_611] : memref<200x64xf32, #tpu.memory_space<vmem>> -> memref<72x64xf32, #tpu.memory_space<vmem>>
      %dma_start3A_613 = arith.constant 0 : i32
      %dma_start3A_614 = arith.constant 0 : i32
      %dma_start3A_615 = tpu.memref_slice %arg5[%dma_start3A_597, %dma_start3A_613, %dma_start3A_614] : memref<4x2x200xi32, #tpu.memory_space<vmem>> -> memref<1x2x200xi32, #tpu.memory_space<vmem>>
      %dma_start3A_616 = tpu.memref_squeeze %dma_start3A_615 : memref<1x2x200xi32, #tpu.memory_space<vmem>> -> memref<2x200xi32, #tpu.memory_space<vmem>>
      %dma_start3A_617 = arith.constant 0 : i32
      %dma_start3A_618 = tpu.memref_slice %dma_start3A_616[%dma_start3A_598, %dma_start3A_617] : memref<2x200xi32, #tpu.memory_space<vmem>> -> memref<1x200xi32, #tpu.memory_space<vmem>>
      %dma_start3A_619 = tpu.memref_squeeze %dma_start3A_618 : memref<1x200xi32, #tpu.memory_space<vmem>> -> memref<200xi32, #tpu.memory_space<vmem>>
      %dma_start3A_620 = arith.constant 128 : i32
      %dma_start3A_621 = tpu.memref_slice %dma_start3A_619[%dma_start3A_620] : memref<200xi32, #tpu.memory_space<vmem>> -> memref<72xi32, #tpu.memory_space<vmem>>
      %dma_start3A_622 = arith.constant 0 : i32
      %dma_start3A_623 = arith.constant 0 : i32
      %dma_start3A_624 = tpu.memref_slice %arg7[%dma_start3A_622, %dma_start3A_623] : memref<1000x64xf32, #tpu.memory_space<vmem_shared>> -> memref<1000x64xf32, #tpu.memory_space<vmem_shared>>
      tpu.enqueue_indirect_dma source(%dma_start3A_624 : memref<1000x64xf32, #tpu.memory_space<vmem_shared>>) target(%dma_start3A_612 : memref<72x64xf32, #tpu.memory_space<vmem>>) offsets(%dma_start3A_621 : memref<72xi32, #tpu.memory_space<vmem>>) semaphore(%arg11 : memref<!tpu.dma_semaphore, #tpu.memory_space<semaphore_mem>>)
      %lt3A_625 = arith.constant 63 : i32
      %lt3A_626 = arith.cmpi slt, %scan3A_316, %lt3A_625 : i32
      %convert_element_type3A_627 = arith.extui %lt3A_626 : i1 to i32
      %cond3A_628 = arith.constant 0 : i32
      %cond3A_629 = arith.cmpi ne, %convert_element_type3A_627, %cond3A_628 : i32
      scf.if %cond3A_629 {
        %add3A_788 = arith.constant 4 : i32
        %add3A_789 = arith.addi %mul3A_318, %add3A_788 : i32
        %mul3A_790 = arith.constant 2 : i32
        %mul3A_791 = arith.muli %add3A_789, %mul3A_790 : i32
        %add3A_792 = arith.addi %mul3A_2, %mul3A_791 : i32
        %dma_start3A_793 = arith.constant 0 : i32
        %dma_start3A_794 = arith.constant 0 : i32
        %dma_start3A_795 = arith.constant 0 : i32
        %dma_start3A_796 = tpu.memref_slice %arg5[%dma_start3A_793, %dma_start3A_794, %dma_start3A_795] : memref<4x2x200xi32, #tpu.memory_space<vmem>> -> memref<1x2x200xi32, #tpu.memory_space<vmem>>
        %dma_start3A_797 = tpu.memref_squeeze %dma_start3A_796 : memref<1x2x200xi32, #tpu.memory_space<vmem>> -> memref<2x200xi32, #tpu.memory_space<vmem>>
        %dma_start3A_798 = arith.constant 0 : i32
        %dma_start3A_799 = tpu.memref_slice %arg2[%add3A_792, %dma_start3A_798] : memref<16384x200xi32, #tpu.memory_space<hbm>> -> memref<2x200xi32, #tpu.memory_space<hbm>>
        %dma_start3A_800 = arith.constant 0 : i32
        %dma_start3A_801 = arith.constant 0 : i32
        %dma_start3A_802 = tpu.memref_slice %arg5[%dma_start3A_793, %dma_start3A_800, %dma_start3A_801] : memref<4x2x200xi32, #tpu.memory_space<vmem>> -> memref<1x2x200xi32, #tpu.memory_space<vmem>>
        %dma_start3A_803 = tpu.memref_squeeze %dma_start3A_802 : memref<1x2x200xi32, #tpu.memory_space<vmem>> -> memref<2x200xi32, #tpu.memory_space<vmem>>
        %dma_start3A_804 = arith.constant 0 : i32
        %dma_start3A_805 = tpu.memref_slice %arg2[%add3A_792, %dma_start3A_804] : memref<16384x200xi32, #tpu.memory_space<hbm>> -> memref<2x200xi32, #tpu.memory_space<hbm>>
        tpu.enqueue_dma source(%dma_start3A_805 : memref<2x200xi32, #tpu.memory_space<hbm>>) target(%dma_start3A_803 : memref<2x200xi32, #tpu.memory_space<vmem>>) target_semaphore(%arg16 : memref<!tpu.dma_semaphore, #tpu.memory_space<semaphore_mem>>)
      } else {
      }
      %dma_wait3A_630 = arith.constant 2 : i32
      %dma_wait3A_631 = arith.constant 0 : i32
      %dma_wait3A_632 = arith.constant 0 : i32
      %dma_wait3A_633 = arith.constant 0 : i32
      %dma_wait3A_634 = arith.constant 0 : i32
      %dma_wait3A_635 = tpu.memref_slice %arg6[%dma_wait3A_630, %dma_wait3A_632, %dma_wait3A_633, %dma_wait3A_634] : memref<4x2x200x64xf32, #tpu.memory_space<vmem>> -> memref<1x2x200x64xf32, #tpu.memory_space<vmem>>
      %dma_wait3A_636 = tpu.memref_squeeze %dma_wait3A_635 : memref<1x2x200x64xf32, #tpu.memory_space<vmem>> -> memref<2x200x64xf32, #tpu.memory_space<vmem>>
      %dma_wait3A_637 = arith.constant 0 : i32
      %dma_wait3A_638 = arith.constant 0 : i32
      %dma_wait3A_639 = tpu.memref_slice %dma_wait3A_636[%dma_wait3A_631, %dma_wait3A_637, %dma_wait3A_638] : memref<2x200x64xf32, #tpu.memory_space<vmem>> -> memref<1x200x64xf32, #tpu.memory_space<vmem>>
      %dma_wait3A_640 = tpu.memref_squeeze %dma_wait3A_639 : memref<1x200x64xf32, #tpu.memory_space<vmem>> -> memref<200x64xf32, #tpu.memory_space<vmem>>
      %dma_wait3A_641 = arith.constant 0 : i32
      %dma_wait3A_642 = arith.constant 0 : i32
      %dma_wait3A_643 = tpu.memref_slice %arg3[%dma_wait3A_641, %dma_wait3A_642] : memref<1000x64xf32, #tpu.memory_space<hbm>> -> memref<200x64xf32, #tpu.memory_space<hbm>>
      %dma_wait3A_644 = arith.constant 0 : i32
      %dma_wait3A_645 = arith.constant 0 : i32
      %dma_wait3A_646 = arith.constant 0 : i32
      %dma_wait3A_647 = tpu.memref_slice %arg6[%dma_wait3A_630, %dma_wait3A_644, %dma_wait3A_645, %dma_wait3A_646] : memref<4x2x200x64xf32, #tpu.memory_space<vmem>> -> memref<1x2x200x64xf32, #tpu.memory_space<vmem>>
      %dma_wait3A_648 = tpu.memref_squeeze %dma_wait3A_647 : memref<1x2x200x64xf32, #tpu.memory_space<vmem>> -> memref<2x200x64xf32, #tpu.memory_space<vmem>>
      %dma_wait3A_649 = arith.constant 0 : i32
      %dma_wait3A_650 = arith.constant 0 : i32
      %dma_wait3A_651 = tpu.memref_slice %dma_wait3A_648[%dma_wait3A_631, %dma_wait3A_649, %dma_wait3A_650] : memref<2x200x64xf32, #tpu.memory_space<vmem>> -> memref<1x200x64xf32, #tpu.memory_space<vmem>>
      %dma_wait3A_652 = tpu.memref_squeeze %dma_wait3A_651 : memref<1x200x64xf32, #tpu.memory_space<vmem>> -> memref<200x64xf32, #tpu.memory_space<vmem>>
      %dma_wait3A_653 = arith.constant 0 : i32
      %dma_wait3A_654 = arith.constant 0 : i32
      %dma_wait3A_655 = tpu.memref_slice %arg3[%dma_wait3A_653, %dma_wait3A_654] : memref<1000x64xf32, #tpu.memory_space<hbm>> -> memref<200x64xf32, #tpu.memory_space<hbm>>
      tpu.wait_dma2 semaphore(%arg10 : memref<!tpu.dma_semaphore, #tpu.memory_space<semaphore_mem>>) src(%dma_wait3A_655 : memref<200x64xf32, #tpu.memory_space<hbm>>) dst(%dma_wait3A_652 : memref<200x64xf32, #tpu.memory_space<vmem>>)
      %dma_wait3A_656 = arith.constant 2 : i32
      %dma_wait3A_657 = arith.constant 1 : i32
      %dma_wait3A_658 = arith.constant 0 : i32
      %dma_wait3A_659 = arith.constant 0 : i32
      %dma_wait3A_660 = arith.constant 0 : i32
      %dma_wait3A_661 = tpu.memref_slice %arg6[%dma_wait3A_656, %dma_wait3A_658, %dma_wait3A_659, %dma_wait3A_660] : memref<4x2x200x64xf32, #tpu.memory_space<vmem>> -> memref<1x2x200x64xf32, #tpu.memory_space<vmem>>
      %dma_wait3A_662 = tpu.memref_squeeze %dma_wait3A_661 : memref<1x2x200x64xf32, #tpu.memory_space<vmem>> -> memref<2x200x64xf32, #tpu.memory_space<vmem>>
      %dma_wait3A_663 = arith.constant 0 : i32
      %dma_wait3A_664 = arith.constant 0 : i32
      %dma_wait3A_665 = tpu.memref_slice %dma_wait3A_662[%dma_wait3A_657, %dma_wait3A_663, %dma_wait3A_664] : memref<2x200x64xf32, #tpu.memory_space<vmem>> -> memref<1x200x64xf32, #tpu.memory_space<vmem>>
      %dma_wait3A_666 = tpu.memref_squeeze %dma_wait3A_665 : memref<1x200x64xf32, #tpu.memory_space<vmem>> -> memref<200x64xf32, #tpu.memory_space<vmem>>
      %dma_wait3A_667 = arith.constant 0 : i32
      %dma_wait3A_668 = arith.constant 0 : i32
      %dma_wait3A_669 = tpu.memref_slice %arg3[%dma_wait3A_667, %dma_wait3A_668] : memref<1000x64xf32, #tpu.memory_space<hbm>> -> memref<200x64xf32, #tpu.memory_space<hbm>>
      %dma_wait3A_670 = arith.constant 0 : i32
      %dma_wait3A_671 = arith.constant 0 : i32
      %dma_wait3A_672 = arith.constant 0 : i32
      %dma_wait3A_673 = tpu.memref_slice %arg6[%dma_wait3A_656, %dma_wait3A_670, %dma_wait3A_671, %dma_wait3A_672] : memref<4x2x200x64xf32, #tpu.memory_space<vmem>> -> memref<1x2x200x64xf32, #tpu.memory_space<vmem>>
      %dma_wait3A_674 = tpu.memref_squeeze %dma_wait3A_673 : memref<1x2x200x64xf32, #tpu.memory_space<vmem>> -> memref<2x200x64xf32, #tpu.memory_space<vmem>>
      %dma_wait3A_675 = arith.constant 0 : i32
      %dma_wait3A_676 = arith.constant 0 : i32
      %dma_wait3A_677 = tpu.memref_slice %dma_wait3A_674[%dma_wait3A_657, %dma_wait3A_675, %dma_wait3A_676] : memref<2x200x64xf32, #tpu.memory_space<vmem>> -> memref<1x200x64xf32, #tpu.memory_space<vmem>>
      %dma_wait3A_678 = tpu.memref_squeeze %dma_wait3A_677 : memref<1x200x64xf32, #tpu.memory_space<vmem>> -> memref<200x64xf32, #tpu.memory_space<vmem>>
      %dma_wait3A_679 = arith.constant 0 : i32
      %dma_wait3A_680 = arith.constant 0 : i32
      %dma_wait3A_681 = tpu.memref_slice %arg3[%dma_wait3A_679, %dma_wait3A_680] : memref<1000x64xf32, #tpu.memory_space<hbm>> -> memref<200x64xf32, #tpu.memory_space<hbm>>
      tpu.wait_dma2 semaphore(%arg10 : memref<!tpu.dma_semaphore, #tpu.memory_space<semaphore_mem>>) src(%dma_wait3A_681 : memref<200x64xf32, #tpu.memory_space<hbm>>) dst(%dma_wait3A_678 : memref<200x64xf32, #tpu.memory_space<vmem>>)
      %add3A_682 = arith.constant 2 : i32
      %add3A_683 = arith.addi %mul3A_318, %add3A_682 : i32
      %mul3A_684 = arith.constant 2 : i32
      %mul3A_685 = arith.muli %add3A_683, %mul3A_684 : i32
      %add3A_686 = arith.addi %mul3A_2, %mul3A_685 : i32
      %dma_start3A_687 = arith.constant 2 : i32
      %dma_start3A_688 = arith.constant 0 : i32
      %dma_start3A_689 = arith.constant 0 : i32
      %dma_start3A_690 = arith.constant 0 : i32
      %dma_start3A_691 = tpu.memref_slice %arg6[%dma_start3A_687, %dma_start3A_688, %dma_start3A_689, %dma_start3A_690] : memref<4x2x200x64xf32, #tpu.memory_space<vmem>> -> memref<1x2x200x64xf32, #tpu.memory_space<vmem>>
      %dma_start3A_692 = tpu.memref_squeeze %dma_start3A_691 : memref<1x2x200x64xf32, #tpu.memory_space<vmem>> -> memref<2x200x64xf32, #tpu.memory_space<vmem>>
      %dma_start3A_693 = arith.constant 0 : i32
      %dma_start3A_694 = arith.constant 0 : i32
      %dma_start3A_695 = tpu.memref_slice %arg4[%add3A_686, %dma_start3A_693, %dma_start3A_694] : memref<16384x200x64xf32, #tpu.memory_space<hbm>> -> memref<2x200x64xf32, #tpu.memory_space<hbm>>
      %dma_start3A_696 = arith.constant 0 : i32
      %dma_start3A_697 = arith.constant 0 : i32
      %dma_start3A_698 = tpu.memref_slice %arg4[%add3A_686, %dma_start3A_696, %dma_start3A_697] : memref<16384x200x64xf32, #tpu.memory_space<hbm>> -> memref<2x200x64xf32, #tpu.memory_space<hbm>>
      %dma_start3A_699 = arith.constant 0 : i32
      %dma_start3A_700 = arith.constant 0 : i32
      %dma_start3A_701 = arith.constant 0 : i32
      %dma_start3A_702 = tpu.memref_slice %arg6[%dma_start3A_687, %dma_start3A_699, %dma_start3A_700, %dma_start3A_701] : memref<4x2x200x64xf32, #tpu.memory_space<vmem>> -> memref<1x2x200x64xf32, #tpu.memory_space<vmem>>
      %dma_start3A_703 = tpu.memref_squeeze %dma_start3A_702 : memref<1x2x200x64xf32, #tpu.memory_space<vmem>> -> memref<2x200x64xf32, #tpu.memory_space<vmem>>
      tpu.enqueue_dma source(%dma_start3A_703 : memref<2x200x64xf32, #tpu.memory_space<vmem>>) target(%dma_start3A_698 : memref<2x200x64xf32, #tpu.memory_space<hbm>>) target_semaphore(%arg14 : memref<!tpu.dma_semaphore, #tpu.memory_space<semaphore_mem>>)
      %lt3A_704 = arith.constant 63 : i32
      %lt3A_705 = arith.cmpi slt, %scan3A_316, %lt3A_704 : i32
      %convert_element_type3A_706 = arith.extui %lt3A_705 : i1 to i32
      %cond3A_707 = arith.constant 0 : i32
      %cond3A_708 = arith.cmpi ne, %convert_element_type3A_706, %cond3A_707 : i32
      scf.if %cond3A_708 {
        %dma_wait3A_788 = arith.constant 0 : i32
        %dma_wait3A_789 = arith.constant 0 : i32
        %dma_wait3A_790 = arith.constant 0 : i32
        %dma_wait3A_791 = arith.constant 0 : i32
        %dma_wait3A_792 = tpu.memref_slice %arg6[%dma_wait3A_788, %dma_wait3A_789, %dma_wait3A_790, %dma_wait3A_791] : memref<4x2x200x64xf32, #tpu.memory_space<vmem>> -> memref<1x2x200x64xf32, #tpu.memory_space<vmem>>
        %dma_wait3A_793 = tpu.memref_squeeze %dma_wait3A_792 : memref<1x2x200x64xf32, #tpu.memory_space<vmem>> -> memref<2x200x64xf32, #tpu.memory_space<vmem>>
        %dma_wait3A_794 = arith.constant 0 : i32
        %dma_wait3A_795 = arith.constant 0 : i32
        %dma_wait3A_796 = arith.constant 0 : i32
        %dma_wait3A_797 = tpu.memref_slice %arg4[%dma_wait3A_794, %dma_wait3A_795, %dma_wait3A_796] : memref<16384x200x64xf32, #tpu.memory_space<hbm>> -> memref<2x200x64xf32, #tpu.memory_space<hbm>>
        %dma_wait3A_798 = arith.constant 0 : i32
        %dma_wait3A_799 = arith.constant 0 : i32
        %dma_wait3A_800 = arith.constant 0 : i32
        %dma_wait3A_801 = tpu.memref_slice %arg6[%dma_wait3A_788, %dma_wait3A_798, %dma_wait3A_799, %dma_wait3A_800] : memref<4x2x200x64xf32, #tpu.memory_space<vmem>> -> memref<1x2x200x64xf32, #tpu.memory_space<vmem>>
        %dma_wait3A_802 = tpu.memref_squeeze %dma_wait3A_801 : memref<1x2x200x64xf32, #tpu.memory_space<vmem>> -> memref<2x200x64xf32, #tpu.memory_space<vmem>>
        %dma_wait3A_803 = arith.constant 0 : i32
        %dma_wait3A_804 = arith.constant 0 : i32
        %dma_wait3A_805 = arith.constant 0 : i32
        %dma_wait3A_806 = tpu.memref_slice %arg4[%dma_wait3A_803, %dma_wait3A_804, %dma_wait3A_805] : memref<16384x200x64xf32, #tpu.memory_space<hbm>> -> memref<2x200x64xf32, #tpu.memory_space<hbm>>
        tpu.wait_dma2 semaphore(%arg12 : memref<!tpu.dma_semaphore, #tpu.memory_space<semaphore_mem>>) src(%dma_wait3A_806 : memref<2x200x64xf32, #tpu.memory_space<hbm>>) dst(%dma_wait3A_802 : memref<2x200x64xf32, #tpu.memory_space<vmem>>)
        %dma_wait3A_807 = arith.constant 0 : i32
        %dma_wait3A_808 = arith.constant 0 : i32
        %dma_wait3A_809 = arith.constant 0 : i32
        %dma_wait3A_810 = tpu.memref_slice %arg5[%dma_wait3A_807, %dma_wait3A_808, %dma_wait3A_809] : memref<4x2x200xi32, #tpu.memory_space<vmem>> -> memref<1x2x200xi32, #tpu.memory_space<vmem>>
        %dma_wait3A_811 = tpu.memref_squeeze %dma_wait3A_810 : memref<1x2x200xi32, #tpu.memory_space<vmem>> -> memref<2x200xi32, #tpu.memory_space<vmem>>
        %dma_wait3A_812 = arith.constant 0 : i32
        %dma_wait3A_813 = arith.constant 0 : i32
        %dma_wait3A_814 = tpu.memref_slice %arg2[%dma_wait3A_812, %dma_wait3A_813] : memref<16384x200xi32, #tpu.memory_space<hbm>> -> memref<2x200xi32, #tpu.memory_space<hbm>>
        %dma_wait3A_815 = arith.constant 0 : i32
        %dma_wait3A_816 = arith.constant 0 : i32
        %dma_wait3A_817 = tpu.memref_slice %arg5[%dma_wait3A_807, %dma_wait3A_815, %dma_wait3A_816] : memref<4x2x200xi32, #tpu.memory_space<vmem>> -> memref<1x2x200xi32, #tpu.memory_space<vmem>>
        %dma_wait3A_818 = tpu.memref_squeeze %dma_wait3A_817 : memref<1x2x200xi32, #tpu.memory_space<vmem>> -> memref<2x200xi32, #tpu.memory_space<vmem>>
        %dma_wait3A_819 = arith.constant 0 : i32
        %dma_wait3A_820 = arith.constant 0 : i32
        %dma_wait3A_821 = tpu.memref_slice %arg2[%dma_wait3A_819, %dma_wait3A_820] : memref<16384x200xi32, #tpu.memory_space<hbm>> -> memref<2x200xi32, #tpu.memory_space<hbm>>
        tpu.wait_dma2 semaphore(%arg16 : memref<!tpu.dma_semaphore, #tpu.memory_space<semaphore_mem>>) src(%dma_wait3A_821 : memref<2x200xi32, #tpu.memory_space<hbm>>) dst(%dma_wait3A_818 : memref<2x200xi32, #tpu.memory_space<vmem>>)
        %add3A_822 = arith.constant 4 : i32
        %add3A_823 = arith.addi %mul3A_318, %add3A_822 : i32
        %dma_start3A_824 = arith.constant 0 : i32
        %dma_start3A_825 = arith.constant 0 : i32
        %dma_start3A_826 = arith.constant 0 : i32
        %dma_start3A_827 = arith.constant 0 : i32
        %dma_start3A_828 = arith.constant 0 : i32
        %dma_start3A_829 = arith.constant 0 : i32
        %dma_start3A_830 = arith.constant 0 : i32
        %dma_start3A_831 = tpu.memref_slice %arg6[%dma_start3A_826, %dma_start3A_828, %dma_start3A_829, %dma_start3A_830] : memref<4x2x200x64xf32, #tpu.memory_space<vmem>> -> memref<1x2x200x64xf32, #tpu.memory_space<vmem>>
        %dma_start3A_832 = tpu.memref_squeeze %dma_start3A_831 : memref<1x2x200x64xf32, #tpu.memory_space<vmem>> -> memref<2x200x64xf32, #tpu.memory_space<vmem>>
        %dma_start3A_833 = arith.constant 0 : i32
        %dma_start3A_834 = arith.constant 0 : i32
        %dma_start3A_835 = tpu.memref_slice %dma_start3A_832[%dma_start3A_827, %dma_start3A_833, %dma_start3A_834] : memref<2x200x64xf32, #tpu.memory_space<vmem>> -> memref<1x200x64xf32, #tpu.memory_space<vmem>>
        %dma_start3A_836 = tpu.memref_squeeze %dma_start3A_835 : memref<1x200x64xf32, #tpu.memory_space<vmem>> -> memref<200x64xf32, #tpu.memory_space<vmem>>
        %dma_start3A_837 = arith.constant 0 : i32
        %dma_start3A_838 = arith.constant 0 : i32
        %dma_start3A_839 = tpu.memref_slice %dma_start3A_836[%dma_start3A_837, %dma_start3A_838] : memref<200x64xf32, #tpu.memory_space<vmem>> -> memref<128x64xf32, #tpu.memory_space<vmem>>
        %dma_start3A_840 = arith.constant 0 : i32
        %dma_start3A_841 = arith.constant 0 : i32
        %dma_start3A_842 = tpu.memref_slice %arg5[%dma_start3A_824, %dma_start3A_840, %dma_start3A_841] : memref<4x2x200xi32, #tpu.memory_space<vmem>> -> memref<1x2x200xi32, #tpu.memory_space<vmem>>
        %dma_start3A_843 = tpu.memref_squeeze %dma_start3A_842 : memref<1x2x200xi32, #tpu.memory_space<vmem>> -> memref<2x200xi32, #tpu.memory_space<vmem>>
        %dma_start3A_844 = arith.constant 0 : i32
        %dma_start3A_845 = tpu.memref_slice %dma_start3A_843[%dma_start3A_825, %dma_start3A_844] : memref<2x200xi32, #tpu.memory_space<vmem>> -> memref<1x200xi32, #tpu.memory_space<vmem>>
        %dma_start3A_846 = tpu.memref_squeeze %dma_start3A_845 : memref<1x200xi32, #tpu.memory_space<vmem>> -> memref<200xi32, #tpu.memory_space<vmem>>
        %dma_start3A_847 = arith.constant 0 : i32
        %dma_start3A_848 = tpu.memref_slice %dma_start3A_846[%dma_start3A_847] : memref<200xi32, #tpu.memory_space<vmem>> -> memref<128xi32, #tpu.memory_space<vmem>>
        %dma_start3A_849 = arith.constant 0 : i32
        %dma_start3A_850 = arith.constant 0 : i32
        %dma_start3A_851 = tpu.memref_slice %arg7[%dma_start3A_849, %dma_start3A_850] : memref<1000x64xf32, #tpu.memory_space<vmem_shared>> -> memref<1000x64xf32, #tpu.memory_space<vmem_shared>>
        tpu.enqueue_indirect_dma source(%dma_start3A_851 : memref<1000x64xf32, #tpu.memory_space<vmem_shared>>) target(%dma_start3A_839 : memref<128x64xf32, #tpu.memory_space<vmem>>) offsets(%dma_start3A_848 : memref<128xi32, #tpu.memory_space<vmem>>) semaphore(%arg8 : memref<!tpu.dma_semaphore, #tpu.memory_space<semaphore_mem>>)
        %dma_start3A_852 = arith.constant 0 : i32
        %dma_start3A_853 = arith.constant 0 : i32
        %dma_start3A_854 = arith.constant 0 : i32
        %dma_start3A_855 = arith.constant 0 : i32
        %dma_start3A_856 = arith.constant 0 : i32
        %dma_start3A_857 = arith.constant 0 : i32
        %dma_start3A_858 = arith.constant 0 : i32
        %dma_start3A_859 = tpu.memref_slice %arg6[%dma_start3A_854, %dma_start3A_856, %dma_start3A_857, %dma_start3A_858] : memref<4x2x200x64xf32, #tpu.memory_space<vmem>> -> memref<1x2x200x64xf32, #tpu.memory_space<vmem>>
        %dma_start3A_860 = tpu.memref_squeeze %dma_start3A_859 : memref<1x2x200x64xf32, #tpu.memory_space<vmem>> -> memref<2x200x64xf32, #tpu.memory_space<vmem>>
        %dma_start3A_861 = arith.constant 0 : i32
        %dma_start3A_862 = arith.constant 0 : i32
        %dma_start3A_863 = tpu.memref_slice %dma_start3A_860[%dma_start3A_855, %dma_start3A_861, %dma_start3A_862] : memref<2x200x64xf32, #tpu.memory_space<vmem>> -> memref<1x200x64xf32, #tpu.memory_space<vmem>>
        %dma_start3A_864 = tpu.memref_squeeze %dma_start3A_863 : memref<1x200x64xf32, #tpu.memory_space<vmem>> -> memref<200x64xf32, #tpu.memory_space<vmem>>
        %dma_start3A_865 = arith.constant 128 : i32
        %dma_start3A_866 = arith.constant 0 : i32
        %dma_start3A_867 = tpu.memref_slice %dma_start3A_864[%dma_start3A_865, %dma_start3A_866] : memref<200x64xf32, #tpu.memory_space<vmem>> -> memref<72x64xf32, #tpu.memory_space<vmem>>
        %dma_start3A_868 = arith.constant 0 : i32
        %dma_start3A_869 = arith.constant 0 : i32
        %dma_start3A_870 = tpu.memref_slice %arg5[%dma_start3A_852, %dma_start3A_868, %dma_start3A_869] : memref<4x2x200xi32, #tpu.memory_space<vmem>> -> memref<1x2x200xi32, #tpu.memory_space<vmem>>
        %dma_start3A_871 = tpu.memref_squeeze %dma_start3A_870 : memref<1x2x200xi32, #tpu.memory_space<vmem>> -> memref<2x200xi32, #tpu.memory_space<vmem>>
        %dma_start3A_872 = arith.constant 0 : i32
        %dma_start3A_873 = tpu.memref_slice %dma_start3A_871[%dma_start3A_853, %dma_start3A_872] : memref<2x200xi32, #tpu.memory_space<vmem>> -> memref<1x200xi32, #tpu.memory_space<vmem>>
        %dma_start3A_874 = tpu.memref_squeeze %dma_start3A_873 : memref<1x200xi32, #tpu.memory_space<vmem>> -> memref<200xi32, #tpu.memory_space<vmem>>
        %dma_start3A_875 = arith.constant 128 : i32
        %dma_start3A_876 = tpu.memref_slice %dma_start3A_874[%dma_start3A_875] : memref<200xi32, #tpu.memory_space<vmem>> -> memref<72xi32, #tpu.memory_space<vmem>>
        %dma_start3A_877 = arith.constant 0 : i32
        %dma_start3A_878 = arith.constant 0 : i32
        %dma_start3A_879 = tpu.memref_slice %arg7[%dma_start3A_877, %dma_start3A_878] : memref<1000x64xf32, #tpu.memory_space<vmem_shared>> -> memref<1000x64xf32, #tpu.memory_space<vmem_shared>>
        tpu.enqueue_indirect_dma source(%dma_start3A_879 : memref<1000x64xf32, #tpu.memory_space<vmem_shared>>) target(%dma_start3A_867 : memref<72x64xf32, #tpu.memory_space<vmem>>) offsets(%dma_start3A_876 : memref<72xi32, #tpu.memory_space<vmem>>) semaphore(%arg8 : memref<!tpu.dma_semaphore, #tpu.memory_space<semaphore_mem>>)
        %dma_start3A_880 = arith.constant 0 : i32
        %dma_start3A_881 = arith.constant 1 : i32
        %dma_start3A_882 = arith.constant 0 : i32
        %dma_start3A_883 = arith.constant 1 : i32
        %dma_start3A_884 = arith.constant 0 : i32
        %dma_start3A_885 = arith.constant 0 : i32
        %dma_start3A_886 = arith.constant 0 : i32
        %dma_start3A_887 = tpu.memref_slice %arg6[%dma_start3A_882, %dma_start3A_884, %dma_start3A_885, %dma_start3A_886] : memref<4x2x200x64xf32, #tpu.memory_space<vmem>> -> memref<1x2x200x64xf32, #tpu.memory_space<vmem>>
        %dma_start3A_888 = tpu.memref_squeeze %dma_start3A_887 : memref<1x2x200x64xf32, #tpu.memory_space<vmem>> -> memref<2x200x64xf32, #tpu.memory_space<vmem>>
        %dma_start3A_889 = arith.constant 0 : i32
        %dma_start3A_890 = arith.constant 0 : i32
        %dma_start3A_891 = tpu.memref_slice %dma_start3A_888[%dma_start3A_883, %dma_start3A_889, %dma_start3A_890] : memref<2x200x64xf32, #tpu.memory_space<vmem>> -> memref<1x200x64xf32, #tpu.memory_space<vmem>>
        %dma_start3A_892 = tpu.memref_squeeze %dma_start3A_891 : memref<1x200x64xf32, #tpu.memory_space<vmem>> -> memref<200x64xf32, #tpu.memory_space<vmem>>
        %dma_start3A_893 = arith.constant 0 : i32
        %dma_start3A_894 = arith.constant 0 : i32
        %dma_start3A_895 = tpu.memref_slice %dma_start3A_892[%dma_start3A_893, %dma_start3A_894] : memref<200x64xf32, #tpu.memory_space<vmem>> -> memref<128x64xf32, #tpu.memory_space<vmem>>
        %dma_start3A_896 = arith.constant 0 : i32
        %dma_start3A_897 = arith.constant 0 : i32
        %dma_start3A_898 = tpu.memref_slice %arg5[%dma_start3A_880, %dma_start3A_896, %dma_start3A_897] : memref<4x2x200xi32, #tpu.memory_space<vmem>> -> memref<1x2x200xi32, #tpu.memory_space<vmem>>
        %dma_start3A_899 = tpu.memref_squeeze %dma_start3A_898 : memref<1x2x200xi32, #tpu.memory_space<vmem>> -> memref<2x200xi32, #tpu.memory_space<vmem>>
        %dma_start3A_900 = arith.constant 0 : i32
        %dma_start3A_901 = tpu.memref_slice %dma_start3A_899[%dma_start3A_881, %dma_start3A_900] : memref<2x200xi32, #tpu.memory_space<vmem>> -> memref<1x200xi32, #tpu.memory_space<vmem>>
        %dma_start3A_902 = tpu.memref_squeeze %dma_start3A_901 : memref<1x200xi32, #tpu.memory_space<vmem>> -> memref<200xi32, #tpu.memory_space<vmem>>
        %dma_start3A_903 = arith.constant 0 : i32
        %dma_start3A_904 = tpu.memref_slice %dma_start3A_902[%dma_start3A_903] : memref<200xi32, #tpu.memory_space<vmem>> -> memref<128xi32, #tpu.memory_space<vmem>>
        %dma_start3A_905 = arith.constant 0 : i32
        %dma_start3A_906 = arith.constant 0 : i32
        %dma_start3A_907 = tpu.memref_slice %arg7[%dma_start3A_905, %dma_start3A_906] : memref<1000x64xf32, #tpu.memory_space<vmem_shared>> -> memref<1000x64xf32, #tpu.memory_space<vmem_shared>>
        tpu.enqueue_indirect_dma source(%dma_start3A_907 : memref<1000x64xf32, #tpu.memory_space<vmem_shared>>) target(%dma_start3A_895 : memref<128x64xf32, #tpu.memory_space<vmem>>) offsets(%dma_start3A_904 : memref<128xi32, #tpu.memory_space<vmem>>) semaphore(%arg8 : memref<!tpu.dma_semaphore, #tpu.memory_space<semaphore_mem>>)
        %dma_start3A_908 = arith.constant 0 : i32
        %dma_start3A_909 = arith.constant 1 : i32
        %dma_start3A_910 = arith.constant 0 : i32
        %dma_start3A_911 = arith.constant 1 : i32
        %dma_start3A_912 = arith.constant 0 : i32
        %dma_start3A_913 = arith.constant 0 : i32
        %dma_start3A_914 = arith.constant 0 : i32
        %dma_start3A_915 = tpu.memref_slice %arg6[%dma_start3A_910, %dma_start3A_912, %dma_start3A_913, %dma_start3A_914] : memref<4x2x200x64xf32, #tpu.memory_space<vmem>> -> memref<1x2x200x64xf32, #tpu.memory_space<vmem>>
        %dma_start3A_916 = tpu.memref_squeeze %dma_start3A_915 : memref<1x2x200x64xf32, #tpu.memory_space<vmem>> -> memref<2x200x64xf32, #tpu.memory_space<vmem>>
        %dma_start3A_917 = arith.constant 0 : i32
        %dma_start3A_918 = arith.constant 0 : i32
        %dma_start3A_919 = tpu.memref_slice %dma_start3A_916[%dma_start3A_911, %dma_start3A_917, %dma_start3A_918] : memref<2x200x64xf32, #tpu.memory_space<vmem>> -> memref<1x200x64xf32, #tpu.memory_space<vmem>>
        %dma_start3A_920 = tpu.memref_squeeze %dma_start3A_919 : memref<1x200x64xf32, #tpu.memory_space<vmem>> -> memref<200x64xf32, #tpu.memory_space<vmem>>
        %dma_start3A_921 = arith.constant 128 : i32
        %dma_start3A_922 = arith.constant 0 : i32
        %dma_start3A_923 = tpu.memref_slice %dma_start3A_920[%dma_start3A_921, %dma_start3A_922] : memref<200x64xf32, #tpu.memory_space<vmem>> -> memref<72x64xf32, #tpu.memory_space<vmem>>
        %dma_start3A_924 = arith.constant 0 : i32
        %dma_start3A_925 = arith.constant 0 : i32
        %dma_start3A_926 = tpu.memref_slice %arg5[%dma_start3A_908, %dma_start3A_924, %dma_start3A_925] : memref<4x2x200xi32, #tpu.memory_space<vmem>> -> memref<1x2x200xi32, #tpu.memory_space<vmem>>
        %dma_start3A_927 = tpu.memref_squeeze %dma_start3A_926 : memref<1x2x200xi32, #tpu.memory_space<vmem>> -> memref<2x200xi32, #tpu.memory_space<vmem>>
        %dma_start3A_928 = arith.constant 0 : i32
        %dma_start3A_929 = tpu.memref_slice %dma_start3A_927[%dma_start3A_909, %dma_start3A_928] : memref<2x200xi32, #tpu.memory_space<vmem>> -> memref<1x200xi32, #tpu.memory_space<vmem>>
        %dma_start3A_930 = tpu.memref_squeeze %dma_start3A_929 : memref<1x200xi32, #tpu.memory_space<vmem>> -> memref<200xi32, #tpu.memory_space<vmem>>
        %dma_start3A_931 = arith.constant 128 : i32
        %dma_start3A_932 = tpu.memref_slice %dma_start3A_930[%dma_start3A_931] : memref<200xi32, #tpu.memory_space<vmem>> -> memref<72xi32, #tpu.memory_space<vmem>>
        %dma_start3A_933 = arith.constant 0 : i32
        %dma_start3A_934 = arith.constant 0 : i32
        %dma_start3A_935 = tpu.memref_slice %arg7[%dma_start3A_933, %dma_start3A_934] : memref<1000x64xf32, #tpu.memory_space<vmem_shared>> -> memref<1000x64xf32, #tpu.memory_space<vmem_shared>>
        tpu.enqueue_indirect_dma source(%dma_start3A_935 : memref<1000x64xf32, #tpu.memory_space<vmem_shared>>) target(%dma_start3A_923 : memref<72x64xf32, #tpu.memory_space<vmem>>) offsets(%dma_start3A_932 : memref<72xi32, #tpu.memory_space<vmem>>) semaphore(%arg8 : memref<!tpu.dma_semaphore, #tpu.memory_space<semaphore_mem>>)
        %add3A_936 = arith.constant 5 : i32
        %add3A_937 = arith.addi %mul3A_318, %add3A_936 : i32
        %mul3A_938 = arith.constant 2 : i32
        %mul3A_939 = arith.muli %add3A_937, %mul3A_938 : i32
        %add3A_940 = arith.addi %mul3A_2, %mul3A_939 : i32
        %dma_start3A_941 = arith.constant 1 : i32
        %dma_start3A_942 = arith.constant 0 : i32
        %dma_start3A_943 = arith.constant 0 : i32
        %dma_start3A_944 = tpu.memref_slice %arg5[%dma_start3A_941, %dma_start3A_942, %dma_start3A_943] : memref<4x2x200xi32, #tpu.memory_space<vmem>> -> memref<1x2x200xi32, #tpu.memory_space<vmem>>
        %dma_start3A_945 = tpu.memref_squeeze %dma_start3A_944 : memref<1x2x200xi32, #tpu.memory_space<vmem>> -> memref<2x200xi32, #tpu.memory_space<vmem>>
        %dma_start3A_946 = arith.constant 0 : i32
        %dma_start3A_947 = tpu.memref_slice %arg2[%add3A_940, %dma_start3A_946] : memref<16384x200xi32, #tpu.memory_space<hbm>> -> memref<2x200xi32, #tpu.memory_space<hbm>>
        %dma_start3A_948 = arith.constant 0 : i32
        %dma_start3A_949 = arith.constant 0 : i32
        %dma_start3A_950 = tpu.memref_slice %arg5[%dma_start3A_941, %dma_start3A_948, %dma_start3A_949] : memref<4x2x200xi32, #tpu.memory_space<vmem>> -> memref<1x2x200xi32, #tpu.memory_space<vmem>>
        %dma_start3A_951 = tpu.memref_squeeze %dma_start3A_950 : memref<1x2x200xi32, #tpu.memory_space<vmem>> -> memref<2x200xi32, #tpu.memory_space<vmem>>
        %dma_start3A_952 = arith.constant 0 : i32
        %dma_start3A_953 = tpu.memref_slice %arg2[%add3A_940, %dma_start3A_952] : memref<16384x200xi32, #tpu.memory_space<hbm>> -> memref<2x200xi32, #tpu.memory_space<hbm>>
        tpu.enqueue_dma source(%dma_start3A_953 : memref<2x200xi32, #tpu.memory_space<hbm>>) target(%dma_start3A_951 : memref<2x200xi32, #tpu.memory_space<vmem>>) target_semaphore(%arg17 : memref<!tpu.dma_semaphore, #tpu.memory_space<semaphore_mem>>)
      } else {
      }
      %dma_wait3A_709 = arith.constant 3 : i32
      %dma_wait3A_710 = arith.constant 0 : i32
      %dma_wait3A_711 = arith.constant 0 : i32
      %dma_wait3A_712 = arith.constant 0 : i32
      %dma_wait3A_713 = arith.constant 0 : i32
      %dma_wait3A_714 = tpu.memref_slice %arg6[%dma_wait3A_709, %dma_wait3A_711, %dma_wait3A_712, %dma_wait3A_713] : memref<4x2x200x64xf32, #tpu.memory_space<vmem>> -> memref<1x2x200x64xf32, #tpu.memory_space<vmem>>
      %dma_wait3A_715 = tpu.memref_squeeze %dma_wait3A_714 : memref<1x2x200x64xf32, #tpu.memory_space<vmem>> -> memref<2x200x64xf32, #tpu.memory_space<vmem>>
      %dma_wait3A_716 = arith.constant 0 : i32
      %dma_wait3A_717 = arith.constant 0 : i32
      %dma_wait3A_718 = tpu.memref_slice %dma_wait3A_715[%dma_wait3A_710, %dma_wait3A_716, %dma_wait3A_717] : memref<2x200x64xf32, #tpu.memory_space<vmem>> -> memref<1x200x64xf32, #tpu.memory_space<vmem>>
      %dma_wait3A_719 = tpu.memref_squeeze %dma_wait3A_718 : memref<1x200x64xf32, #tpu.memory_space<vmem>> -> memref<200x64xf32, #tpu.memory_space<vmem>>
      %dma_wait3A_720 = arith.constant 0 : i32
      %dma_wait3A_721 = arith.constant 0 : i32
      %dma_wait3A_722 = tpu.memref_slice %arg3[%dma_wait3A_720, %dma_wait3A_721] : memref<1000x64xf32, #tpu.memory_space<hbm>> -> memref<200x64xf32, #tpu.memory_space<hbm>>
      %dma_wait3A_723 = arith.constant 0 : i32
      %dma_wait3A_724 = arith.constant 0 : i32
      %dma_wait3A_725 = arith.constant 0 : i32
      %dma_wait3A_726 = tpu.memref_slice %arg6[%dma_wait3A_709, %dma_wait3A_723, %dma_wait3A_724, %dma_wait3A_725] : memref<4x2x200x64xf32, #tpu.memory_space<vmem>> -> memref<1x2x200x64xf32, #tpu.memory_space<vmem>>
      %dma_wait3A_727 = tpu.memref_squeeze %dma_wait3A_726 : memref<1x2x200x64xf32, #tpu.memory_space<vmem>> -> memref<2x200x64xf32, #tpu.memory_space<vmem>>
      %dma_wait3A_728 = arith.constant 0 : i32
      %dma_wait3A_729 = arith.constant 0 : i32
      %dma_wait3A_730 = tpu.memref_slice %dma_wait3A_727[%dma_wait3A_710, %dma_wait3A_728, %dma_wait3A_729] : memref<2x200x64xf32, #tpu.memory_space<vmem>> -> memref<1x200x64xf32, #tpu.memory_space<vmem>>
      %dma_wait3A_731 = tpu.memref_squeeze %dma_wait3A_730 : memref<1x200x64xf32, #tpu.memory_space<vmem>> -> memref<200x64xf32, #tpu.memory_space<vmem>>
      %dma_wait3A_732 = arith.constant 0 : i32
      %dma_wait3A_733 = arith.constant 0 : i32
      %dma_wait3A_734 = tpu.memref_slice %arg3[%dma_wait3A_732, %dma_wait3A_733] : memref<1000x64xf32, #tpu.memory_space<hbm>> -> memref<200x64xf32, #tpu.memory_space<hbm>>
      tpu.wait_dma2 semaphore(%arg11 : memref<!tpu.dma_semaphore, #tpu.memory_space<semaphore_mem>>) src(%dma_wait3A_734 : memref<200x64xf32, #tpu.memory_space<hbm>>) dst(%dma_wait3A_731 : memref<200x64xf32, #tpu.memory_space<vmem>>)
      %dma_wait3A_735 = arith.constant 3 : i32
      %dma_wait3A_736 = arith.constant 1 : i32
      %dma_wait3A_737 = arith.constant 0 : i32
      %dma_wait3A_738 = arith.constant 0 : i32
      %dma_wait3A_739 = arith.constant 0 : i32
      %dma_wait3A_740 = tpu.memref_slice %arg6[%dma_wait3A_735, %dma_wait3A_737, %dma_wait3A_738, %dma_wait3A_739] : memref<4x2x200x64xf32, #tpu.memory_space<vmem>> -> memref<1x2x200x64xf32, #tpu.memory_space<vmem>>
      %dma_wait3A_741 = tpu.memref_squeeze %dma_wait3A_740 : memref<1x2x200x64xf32, #tpu.memory_space<vmem>> -> memref<2x200x64xf32, #tpu.memory_space<vmem>>
      %dma_wait3A_742 = arith.constant 0 : i32
      %dma_wait3A_743 = arith.constant 0 : i32
      %dma_wait3A_744 = tpu.memref_slice %dma_wait3A_741[%dma_wait3A_736, %dma_wait3A_742, %dma_wait3A_743] : memref<2x200x64xf32, #tpu.memory_space<vmem>> -> memref<1x200x64xf32, #tpu.memory_space<vmem>>
      %dma_wait3A_745 = tpu.memref_squeeze %dma_wait3A_744 : memref<1x200x64xf32, #tpu.memory_space<vmem>> -> memref<200x64xf32, #tpu.memory_space<vmem>>
      %dma_wait3A_746 = arith.constant 0 : i32
      %dma_wait3A_747 = arith.constant 0 : i32
      %dma_wait3A_748 = tpu.memref_slice %arg3[%dma_wait3A_746, %dma_wait3A_747] : memref<1000x64xf32, #tpu.memory_space<hbm>> -> memref<200x64xf32, #tpu.memory_space<hbm>>
      %dma_wait3A_749 = arith.constant 0 : i32
      %dma_wait3A_750 = arith.constant 0 : i32
      %dma_wait3A_751 = arith.constant 0 : i32
      %dma_wait3A_752 = tpu.memref_slice %arg6[%dma_wait3A_735, %dma_wait3A_749, %dma_wait3A_750, %dma_wait3A_751] : memref<4x2x200x64xf32, #tpu.memory_space<vmem>> -> memref<1x2x200x64xf32, #tpu.memory_space<vmem>>
      %dma_wait3A_753 = tpu.memref_squeeze %dma_wait3A_752 : memref<1x2x200x64xf32, #tpu.memory_space<vmem>> -> memref<2x200x64xf32, #tpu.memory_space<vmem>>
      %dma_wait3A_754 = arith.constant 0 : i32
      %dma_wait3A_755 = arith.constant 0 : i32
      %dma_wait3A_756 = tpu.memref_slice %dma_wait3A_753[%dma_wait3A_736, %dma_wait3A_754, %dma_wait3A_755] : memref<2x200x64xf32, #tpu.memory_space<vmem>> -> memref<1x200x64xf32, #tpu.memory_space<vmem>>
      %dma_wait3A_757 = tpu.memref_squeeze %dma_wait3A_756 : memref<1x200x64xf32, #tpu.memory_space<vmem>> -> memref<200x64xf32, #tpu.memory_space<vmem>>
      %dma_wait3A_758 = arith.constant 0 : i32
      %dma_wait3A_759 = arith.constant 0 : i32
      %dma_wait3A_760 = tpu.memref_slice %arg3[%dma_wait3A_758, %dma_wait3A_759] : memref<1000x64xf32, #tpu.memory_space<hbm>> -> memref<200x64xf32, #tpu.memory_space<hbm>>
      tpu.wait_dma2 semaphore(%arg11 : memref<!tpu.dma_semaphore, #tpu.memory_space<semaphore_mem>>) src(%dma_wait3A_760 : memref<200x64xf32, #tpu.memory_space<hbm>>) dst(%dma_wait3A_757 : memref<200x64xf32, #tpu.memory_space<vmem>>)
      %add3A_761 = arith.constant 3 : i32
      %add3A_762 = arith.addi %mul3A_318, %add3A_761 : i32
      %mul3A_763 = arith.constant 2 : i32
      %mul3A_764 = arith.muli %add3A_762, %mul3A_763 : i32
      %add3A_765 = arith.addi %mul3A_2, %mul3A_764 : i32
      %dma_start3A_766 = arith.constant 3 : i32
      %dma_start3A_767 = arith.constant 0 : i32
      %dma_start3A_768 = arith.constant 0 : i32
      %dma_start3A_769 = arith.constant 0 : i32
      %dma_start3A_770 = tpu.memref_slice %arg6[%dma_start3A_766, %dma_start3A_767, %dma_start3A_768, %dma_start3A_769] : memref<4x2x200x64xf32, #tpu.memory_space<vmem>> -> memref<1x2x200x64xf32, #tpu.memory_space<vmem>>
      %dma_start3A_771 = tpu.memref_squeeze %dma_start3A_770 : memref<1x2x200x64xf32, #tpu.memory_space<vmem>> -> memref<2x200x64xf32, #tpu.memory_space<vmem>>
      %dma_start3A_772 = arith.constant 0 : i32
      %dma_start3A_773 = arith.constant 0 : i32
      %dma_start3A_774 = tpu.memref_slice %arg4[%add3A_765, %dma_start3A_772, %dma_start3A_773] : memref<16384x200x64xf32, #tpu.memory_space<hbm>> -> memref<2x200x64xf32, #tpu.memory_space<hbm>>
      %dma_start3A_775 = arith.constant 0 : i32
      %dma_start3A_776 = arith.constant 0 : i32
      %dma_start3A_777 = tpu.memref_slice %arg4[%add3A_765, %dma_start3A_775, %dma_start3A_776] : memref<16384x200x64xf32, #tpu.memory_space<hbm>> -> memref<2x200x64xf32, #tpu.memory_space<hbm>>
      %dma_start3A_778 = arith.constant 0 : i32
      %dma_start3A_779 = arith.constant 0 : i32
      %dma_start3A_780 = arith.constant 0 : i32
      %dma_start3A_781 = tpu.memref_slice %arg6[%dma_start3A_766, %dma_start3A_778, %dma_start3A_779, %dma_start3A_780] : memref<4x2x200x64xf32, #tpu.memory_space<vmem>> -> memref<1x2x200x64xf32, #tpu.memory_space<vmem>>
      %dma_start3A_782 = tpu.memref_squeeze %dma_start3A_781 : memref<1x2x200x64xf32, #tpu.memory_space<vmem>> -> memref<2x200x64xf32, #tpu.memory_space<vmem>>
      tpu.enqueue_dma source(%dma_start3A_782 : memref<2x200x64xf32, #tpu.memory_space<vmem>>) target(%dma_start3A_777 : memref<2x200x64xf32, #tpu.memory_space<hbm>>) target_semaphore(%arg15 : memref<!tpu.dma_semaphore, #tpu.memory_space<semaphore_mem>>)
      %lt3A_783 = arith.constant 63 : i32
      %lt3A_784 = arith.cmpi slt, %scan3A_316, %lt3A_783 : i32
      %convert_element_type3A_785 = arith.extui %lt3A_784 : i1 to i32
      %cond3A_786 = arith.constant 0 : i32
      %cond3A_787 = arith.cmpi ne, %convert_element_type3A_785, %cond3A_786 : i32
      scf.if %cond3A_787 {
        %dma_wait3A_788 = arith.constant 1 : i32
        %dma_wait3A_789 = arith.constant 0 : i32
        %dma_wait3A_790 = arith.constant 0 : i32
        %dma_wait3A_791 = arith.constant 0 : i32
        %dma_wait3A_792 = tpu.memref_slice %arg6[%dma_wait3A_788, %dma_wait3A_789, %dma_wait3A_790, %dma_wait3A_791] : memref<4x2x200x64xf32, #tpu.memory_space<vmem>> -> memref<1x2x200x64xf32, #tpu.memory_space<vmem>>
        %dma_wait3A_793 = tpu.memref_squeeze %dma_wait3A_792 : memref<1x2x200x64xf32, #tpu.memory_space<vmem>> -> memref<2x200x64xf32, #tpu.memory_space<vmem>>
        %dma_wait3A_794 = arith.constant 0 : i32
        %dma_wait3A_795 = arith.constant 0 : i32
        %dma_wait3A_796 = arith.constant 0 : i32
        %dma_wait3A_797 = tpu.memref_slice %arg4[%dma_wait3A_794, %dma_wait3A_795, %dma_wait3A_796] : memref<16384x200x64xf32, #tpu.memory_space<hbm>> -> memref<2x200x64xf32, #tpu.memory_space<hbm>>
        %dma_wait3A_798 = arith.constant 0 : i32
        %dma_wait3A_799 = arith.constant 0 : i32
        %dma_wait3A_800 = arith.constant 0 : i32
        %dma_wait3A_801 = tpu.memref_slice %arg6[%dma_wait3A_788, %dma_wait3A_798, %dma_wait3A_799, %dma_wait3A_800] : memref<4x2x200x64xf32, #tpu.memory_space<vmem>> -> memref<1x2x200x64xf32, #tpu.memory_space<vmem>>
        %dma_wait3A_802 = tpu.memref_squeeze %dma_wait3A_801 : memref<1x2x200x64xf32, #tpu.memory_space<vmem>> -> memref<2x200x64xf32, #tpu.memory_space<vmem>>
        %dma_wait3A_803 = arith.constant 0 : i32
        %dma_wait3A_804 = arith.constant 0 : i32
        %dma_wait3A_805 = arith.constant 0 : i32
        %dma_wait3A_806 = tpu.memref_slice %arg4[%dma_wait3A_803, %dma_wait3A_804, %dma_wait3A_805] : memref<16384x200x64xf32, #tpu.memory_space<hbm>> -> memref<2x200x64xf32, #tpu.memory_space<hbm>>
        tpu.wait_dma2 semaphore(%arg13 : memref<!tpu.dma_semaphore, #tpu.memory_space<semaphore_mem>>) src(%dma_wait3A_806 : memref<2x200x64xf32, #tpu.memory_space<hbm>>) dst(%dma_wait3A_802 : memref<2x200x64xf32, #tpu.memory_space<vmem>>)
        %dma_wait3A_807 = arith.constant 1 : i32
        %dma_wait3A_808 = arith.constant 0 : i32
        %dma_wait3A_809 = arith.constant 0 : i32
        %dma_wait3A_810 = tpu.memref_slice %arg5[%dma_wait3A_807, %dma_wait3A_808, %dma_wait3A_809] : memref<4x2x200xi32, #tpu.memory_space<vmem>> -> memref<1x2x200xi32, #tpu.memory_space<vmem>>
        %dma_wait3A_811 = tpu.memref_squeeze %dma_wait3A_810 : memref<1x2x200xi32, #tpu.memory_space<vmem>> -> memref<2x200xi32, #tpu.memory_space<vmem>>
        %dma_wait3A_812 = arith.constant 0 : i32
        %dma_wait3A_813 = arith.constant 0 : i32
        %dma_wait3A_814 = tpu.memref_slice %arg2[%dma_wait3A_812, %dma_wait3A_813] : memref<16384x200xi32, #tpu.memory_space<hbm>> -> memref<2x200xi32, #tpu.memory_space<hbm>>
        %dma_wait3A_815 = arith.constant 0 : i32
        %dma_wait3A_816 = arith.constant 0 : i32
        %dma_wait3A_817 = tpu.memref_slice %arg5[%dma_wait3A_807, %dma_wait3A_815, %dma_wait3A_816] : memref<4x2x200xi32, #tpu.memory_space<vmem>> -> memref<1x2x200xi32, #tpu.memory_space<vmem>>
        %dma_wait3A_818 = tpu.memref_squeeze %dma_wait3A_817 : memref<1x2x200xi32, #tpu.memory_space<vmem>> -> memref<2x200xi32, #tpu.memory_space<vmem>>
        %dma_wait3A_819 = arith.constant 0 : i32
        %dma_wait3A_820 = arith.constant 0 : i32
        %dma_wait3A_821 = tpu.memref_slice %arg2[%dma_wait3A_819, %dma_wait3A_820] : memref<16384x200xi32, #tpu.memory_space<hbm>> -> memref<2x200xi32, #tpu.memory_space<hbm>>
        tpu.wait_dma2 semaphore(%arg17 : memref<!tpu.dma_semaphore, #tpu.memory_space<semaphore_mem>>) src(%dma_wait3A_821 : memref<2x200xi32, #tpu.memory_space<hbm>>) dst(%dma_wait3A_818 : memref<2x200xi32, #tpu.memory_space<vmem>>)
        %add3A_822 = arith.constant 5 : i32
        %add3A_823 = arith.addi %mul3A_318, %add3A_822 : i32
        %dma_start3A_824 = arith.constant 1 : i32
        %dma_start3A_825 = arith.constant 0 : i32
        %dma_start3A_826 = arith.constant 1 : i32
        %dma_start3A_827 = arith.constant 0 : i32
        %dma_start3A_828 = arith.constant 0 : i32
        %dma_start3A_829 = arith.constant 0 : i32
        %dma_start3A_830 = arith.constant 0 : i32
        %dma_start3A_831 = tpu.memref_slice %arg6[%dma_start3A_826, %dma_start3A_828, %dma_start3A_829, %dma_start3A_830] : memref<4x2x200x64xf32, #tpu.memory_space<vmem>> -> memref<1x2x200x64xf32, #tpu.memory_space<vmem>>
        %dma_start3A_832 = tpu.memref_squeeze %dma_start3A_831 : memref<1x2x200x64xf32, #tpu.memory_space<vmem>> -> memref<2x200x64xf32, #tpu.memory_space<vmem>>
        %dma_start3A_833 = arith.constant 0 : i32
        %dma_start3A_834 = arith.constant 0 : i32
        %dma_start3A_835 = tpu.memref_slice %dma_start3A_832[%dma_start3A_827, %dma_start3A_833, %dma_start3A_834] : memref<2x200x64xf32, #tpu.memory_space<vmem>> -> memref<1x200x64xf32, #tpu.memory_space<vmem>>
        %dma_start3A_836 = tpu.memref_squeeze %dma_start3A_835 : memref<1x200x64xf32, #tpu.memory_space<vmem>> -> memref<200x64xf32, #tpu.memory_space<vmem>>
        %dma_start3A_837 = arith.constant 0 : i32
        %dma_start3A_838 = arith.constant 0 : i32
        %dma_start3A_839 = tpu.memref_slice %dma_start3A_836[%dma_start3A_837, %dma_start3A_838] : memref<200x64xf32, #tpu.memory_space<vmem>> -> memref<128x64xf32, #tpu.memory_space<vmem>>
        %dma_start3A_840 = arith.constant 0 : i32
        %dma_start3A_841 = arith.constant 0 : i32
        %dma_start3A_842 = tpu.memref_slice %arg5[%dma_start3A_824, %dma_start3A_840, %dma_start3A_841] : memref<4x2x200xi32, #tpu.memory_space<vmem>> -> memref<1x2x200xi32, #tpu.memory_space<vmem>>
        %dma_start3A_843 = tpu.memref_squeeze %dma_start3A_842 : memref<1x2x200xi32, #tpu.memory_space<vmem>> -> memref<2x200xi32, #tpu.memory_space<vmem>>
        %dma_start3A_844 = arith.constant 0 : i32
        %dma_start3A_845 = tpu.memref_slice %dma_start3A_843[%dma_start3A_825, %dma_start3A_844] : memref<2x200xi32, #tpu.memory_space<vmem>> -> memref<1x200xi32, #tpu.memory_space<vmem>>
        %dma_start3A_846 = tpu.memref_squeeze %dma_start3A_845 : memref<1x200xi32, #tpu.memory_space<vmem>> -> memref<200xi32, #tpu.memory_space<vmem>>
        %dma_start3A_847 = arith.constant 0 : i32
        %dma_start3A_848 = tpu.memref_slice %dma_start3A_846[%dma_start3A_847] : memref<200xi32, #tpu.memory_space<vmem>> -> memref<128xi32, #tpu.memory_space<vmem>>
        %dma_start3A_849 = arith.constant 0 : i32
        %dma_start3A_850 = arith.constant 0 : i32
        %dma_start3A_851 = tpu.memref_slice %arg7[%dma_start3A_849, %dma_start3A_850] : memref<1000x64xf32, #tpu.memory_space<vmem_shared>> -> memref<1000x64xf32, #tpu.memory_space<vmem_shared>>
        tpu.enqueue_indirect_dma source(%dma_start3A_851 : memref<1000x64xf32, #tpu.memory_space<vmem_shared>>) target(%dma_start3A_839 : memref<128x64xf32, #tpu.memory_space<vmem>>) offsets(%dma_start3A_848 : memref<128xi32, #tpu.memory_space<vmem>>) semaphore(%arg9 : memref<!tpu.dma_semaphore, #tpu.memory_space<semaphore_mem>>)
        %dma_start3A_852 = arith.constant 1 : i32
        %dma_start3A_853 = arith.constant 0 : i32
        %dma_start3A_854 = arith.constant 1 : i32
        %dma_start3A_855 = arith.constant 0 : i32
        %dma_start3A_856 = arith.constant 0 : i32
        %dma_start3A_857 = arith.constant 0 : i32
        %dma_start3A_858 = arith.constant 0 : i32
        %dma_start3A_859 = tpu.memref_slice %arg6[%dma_start3A_854, %dma_start3A_856, %dma_start3A_857, %dma_start3A_858] : memref<4x2x200x64xf32, #tpu.memory_space<vmem>> -> memref<1x2x200x64xf32, #tpu.memory_space<vmem>>
        %dma_start3A_860 = tpu.memref_squeeze %dma_start3A_859 : memref<1x2x200x64xf32, #tpu.memory_space<vmem>> -> memref<2x200x64xf32, #tpu.memory_space<vmem>>
        %dma_start3A_861 = arith.constant 0 : i32
        %dma_start3A_862 = arith.constant 0 : i32
        %dma_start3A_863 = tpu.memref_slice %dma_start3A_860[%dma_start3A_855, %dma_start3A_861, %dma_start3A_862] : memref<2x200x64xf32, #tpu.memory_space<vmem>> -> memref<1x200x64xf32, #tpu.memory_space<vmem>>
        %dma_start3A_864 = tpu.memref_squeeze %dma_start3A_863 : memref<1x200x64xf32, #tpu.memory_space<vmem>> -> memref<200x64xf32, #tpu.memory_space<vmem>>
        %dma_start3A_865 = arith.constant 128 : i32
        %dma_start3A_866 = arith.constant 0 : i32
        %dma_start3A_867 = tpu.memref_slice %dma_start3A_864[%dma_start3A_865, %dma_start3A_866] : memref<200x64xf32, #tpu.memory_space<vmem>> -> memref<72x64xf32, #tpu.memory_space<vmem>>
        %dma_start3A_868 = arith.constant 0 : i32
        %dma_start3A_869 = arith.constant 0 : i32
        %dma_start3A_870 = tpu.memref_slice %arg5[%dma_start3A_852, %dma_start3A_868, %dma_start3A_869] : memref<4x2x200xi32, #tpu.memory_space<vmem>> -> memref<1x2x200xi32, #tpu.memory_space<vmem>>
        %dma_start3A_871 = tpu.memref_squeeze %dma_start3A_870 : memref<1x2x200xi32, #tpu.memory_space<vmem>> -> memref<2x200xi32, #tpu.memory_space<vmem>>
        %dma_start3A_872 = arith.constant 0 : i32
        %dma_start3A_873 = tpu.memref_slice %dma_start3A_871[%dma_start3A_853, %dma_start3A_872] : memref<2x200xi32, #tpu.memory_space<vmem>> -> memref<1x200xi32, #tpu.memory_space<vmem>>
        %dma_start3A_874 = tpu.memref_squeeze %dma_start3A_873 : memref<1x200xi32, #tpu.memory_space<vmem>> -> memref<200xi32, #tpu.memory_space<vmem>>
        %dma_start3A_875 = arith.constant 128 : i32
        %dma_start3A_876 = tpu.memref_slice %dma_start3A_874[%dma_start3A_875] : memref<200xi32, #tpu.memory_space<vmem>> -> memref<72xi32, #tpu.memory_space<vmem>>
        %dma_start3A_877 = arith.constant 0 : i32
        %dma_start3A_878 = arith.constant 0 : i32
        %dma_start3A_879 = tpu.memref_slice %arg7[%dma_start3A_877, %dma_start3A_878] : memref<1000x64xf32, #tpu.memory_space<vmem_shared>> -> memref<1000x64xf32, #tpu.memory_space<vmem_shared>>
        tpu.enqueue_indirect_dma source(%dma_start3A_879 : memref<1000x64xf32, #tpu.memory_space<vmem_shared>>) target(%dma_start3A_867 : memref<72x64xf32, #tpu.memory_space<vmem>>) offsets(%dma_start3A_876 : memref<72xi32, #tpu.memory_space<vmem>>) semaphore(%arg9 : memref<!tpu.dma_semaphore, #tpu.memory_space<semaphore_mem>>)
        %dma_start3A_880 = arith.constant 1 : i32
        %dma_start3A_881 = arith.constant 1 : i32
        %dma_start3A_882 = arith.constant 1 : i32
        %dma_start3A_883 = arith.constant 1 : i32
        %dma_start3A_884 = arith.constant 0 : i32
        %dma_start3A_885 = arith.constant 0 : i32
        %dma_start3A_886 = arith.constant 0 : i32
        %dma_start3A_887 = tpu.memref_slice %arg6[%dma_start3A_882, %dma_start3A_884, %dma_start3A_885, %dma_start3A_886] : memref<4x2x200x64xf32, #tpu.memory_space<vmem>> -> memref<1x2x200x64xf32, #tpu.memory_space<vmem>>
        %dma_start3A_888 = tpu.memref_squeeze %dma_start3A_887 : memref<1x2x200x64xf32, #tpu.memory_space<vmem>> -> memref<2x200x64xf32, #tpu.memory_space<vmem>>
        %dma_start3A_889 = arith.constant 0 : i32
        %dma_start3A_890 = arith.constant 0 : i32
        %dma_start3A_891 = tpu.memref_slice %dma_start3A_888[%dma_start3A_883, %dma_start3A_889, %dma_start3A_890] : memref<2x200x64xf32, #tpu.memory_space<vmem>> -> memref<1x200x64xf32, #tpu.memory_space<vmem>>
        %dma_start3A_892 = tpu.memref_squeeze %dma_start3A_891 : memref<1x200x64xf32, #tpu.memory_space<vmem>> -> memref<200x64xf32, #tpu.memory_space<vmem>>
        %dma_start3A_893 = arith.constant 0 : i32
        %dma_start3A_894 = arith.constant 0 : i32
        %dma_start3A_895 = tpu.memref_slice %dma_start3A_892[%dma_start3A_893, %dma_start3A_894] : memref<200x64xf32, #tpu.memory_space<vmem>> -> memref<128x64xf32, #tpu.memory_space<vmem>>
        %dma_start3A_896 = arith.constant 0 : i32
        %dma_start3A_897 = arith.constant 0 : i32
        %dma_start3A_898 = tpu.memref_slice %arg5[%dma_start3A_880, %dma_start3A_896, %dma_start3A_897] : memref<4x2x200xi32, #tpu.memory_space<vmem>> -> memref<1x2x200xi32, #tpu.memory_space<vmem>>
        %dma_start3A_899 = tpu.memref_squeeze %dma_start3A_898 : memref<1x2x200xi32, #tpu.memory_space<vmem>> -> memref<2x200xi32, #tpu.memory_space<vmem>>
        %dma_start3A_900 = arith.constant 0 : i32
        %dma_start3A_901 = tpu.memref_slice %dma_start3A_899[%dma_start3A_881, %dma_start3A_900] : memref<2x200xi32, #tpu.memory_space<vmem>> -> memref<1x200xi32, #tpu.memory_space<vmem>>
        %dma_start3A_902 = tpu.memref_squeeze %dma_start3A_901 : memref<1x200xi32, #tpu.memory_space<vmem>> -> memref<200xi32, #tpu.memory_space<vmem>>
        %dma_start3A_903 = arith.constant 0 : i32
        %dma_start3A_904 = tpu.memref_slice %dma_start3A_902[%dma_start3A_903] : memref<200xi32, #tpu.memory_space<vmem>> -> memref<128xi32, #tpu.memory_space<vmem>>
        %dma_start3A_905 = arith.constant 0 : i32
        %dma_start3A_906 = arith.constant 0 : i32
        %dma_start3A_907 = tpu.memref_slice %arg7[%dma_start3A_905, %dma_start3A_906] : memref<1000x64xf32, #tpu.memory_space<vmem_shared>> -> memref<1000x64xf32, #tpu.memory_space<vmem_shared>>
        tpu.enqueue_indirect_dma source(%dma_start3A_907 : memref<1000x64xf32, #tpu.memory_space<vmem_shared>>) target(%dma_start3A_895 : memref<128x64xf32, #tpu.memory_space<vmem>>) offsets(%dma_start3A_904 : memref<128xi32, #tpu.memory_space<vmem>>) semaphore(%arg9 : memref<!tpu.dma_semaphore, #tpu.memory_space<semaphore_mem>>)
        %dma_start3A_908 = arith.constant 1 : i32
        %dma_start3A_909 = arith.constant 1 : i32
        %dma_start3A_910 = arith.constant 1 : i32
        %dma_start3A_911 = arith.constant 1 : i32
        %dma_start3A_912 = arith.constant 0 : i32
        %dma_start3A_913 = arith.constant 0 : i32
        %dma_start3A_914 = arith.constant 0 : i32
        %dma_start3A_915 = tpu.memref_slice %arg6[%dma_start3A_910, %dma_start3A_912, %dma_start3A_913, %dma_start3A_914] : memref<4x2x200x64xf32, #tpu.memory_space<vmem>> -> memref<1x2x200x64xf32, #tpu.memory_space<vmem>>
        %dma_start3A_916 = tpu.memref_squeeze %dma_start3A_915 : memref<1x2x200x64xf32, #tpu.memory_space<vmem>> -> memref<2x200x64xf32, #tpu.memory_space<vmem>>
        %dma_start3A_917 = arith.constant 0 : i32
        %dma_start3A_918 = arith.constant 0 : i32
        %dma_start3A_919 = tpu.memref_slice %dma_start3A_916[%dma_start3A_911, %dma_start3A_917, %dma_start3A_918] : memref<2x200x64xf32, #tpu.memory_space<vmem>> -> memref<1x200x64xf32, #tpu.memory_space<vmem>>
        %dma_start3A_920 = tpu.memref_squeeze %dma_start3A_919 : memref<1x200x64xf32, #tpu.memory_space<vmem>> -> memref<200x64xf32, #tpu.memory_space<vmem>>
        %dma_start3A_921 = arith.constant 128 : i32
        %dma_start3A_922 = arith.constant 0 : i32
        %dma_start3A_923 = tpu.memref_slice %dma_start3A_920[%dma_start3A_921, %dma_start3A_922] : memref<200x64xf32, #tpu.memory_space<vmem>> -> memref<72x64xf32, #tpu.memory_space<vmem>>
        %dma_start3A_924 = arith.constant 0 : i32
        %dma_start3A_925 = arith.constant 0 : i32
        %dma_start3A_926 = tpu.memref_slice %arg5[%dma_start3A_908, %dma_start3A_924, %dma_start3A_925] : memref<4x2x200xi32, #tpu.memory_space<vmem>> -> memref<1x2x200xi32, #tpu.memory_space<vmem>>
        %dma_start3A_927 = tpu.memref_squeeze %dma_start3A_926 : memref<1x2x200xi32, #tpu.memory_space<vmem>> -> memref<2x200xi32, #tpu.memory_space<vmem>>
        %dma_start3A_928 = arith.constant 0 : i32
        %dma_start3A_929 = tpu.memref_slice %dma_start3A_927[%dma_start3A_909, %dma_start3A_928] : memref<2x200xi32, #tpu.memory_space<vmem>> -> memref<1x200xi32, #tpu.memory_space<vmem>>
        %dma_start3A_930 = tpu.memref_squeeze %dma_start3A_929 : memref<1x200xi32, #tpu.memory_space<vmem>> -> memref<200xi32, #tpu.memory_space<vmem>>
        %dma_start3A_931 = arith.constant 128 : i32
        %dma_start3A_932 = tpu.memref_slice %dma_start3A_930[%dma_start3A_931] : memref<200xi32, #tpu.memory_space<vmem>> -> memref<72xi32, #tpu.memory_space<vmem>>
        %dma_start3A_933 = arith.constant 0 : i32
        %dma_start3A_934 = arith.constant 0 : i32
        %dma_start3A_935 = tpu.memref_slice %arg7[%dma_start3A_933, %dma_start3A_934] : memref<1000x64xf32, #tpu.memory_space<vmem_shared>> -> memref<1000x64xf32, #tpu.memory_space<vmem_shared>>
        tpu.enqueue_indirect_dma source(%dma_start3A_935 : memref<1000x64xf32, #tpu.memory_space<vmem_shared>>) target(%dma_start3A_923 : memref<72x64xf32, #tpu.memory_space<vmem>>) offsets(%dma_start3A_932 : memref<72xi32, #tpu.memory_space<vmem>>) semaphore(%arg9 : memref<!tpu.dma_semaphore, #tpu.memory_space<semaphore_mem>>)
        %add3A_936 = arith.constant 6 : i32
        %add3A_937 = arith.addi %mul3A_318, %add3A_936 : i32
        %mul3A_938 = arith.constant 2 : i32
        %mul3A_939 = arith.muli %add3A_937, %mul3A_938 : i32
        %add3A_940 = arith.addi %mul3A_2, %mul3A_939 : i32
        %dma_start3A_941 = arith.constant 2 : i32
        %dma_start3A_942 = arith.constant 0 : i32
        %dma_start3A_943 = arith.constant 0 : i32
        %dma_start3A_944 = tpu.memref_slice %arg5[%dma_start3A_941, %dma_start3A_942, %dma_start3A_943] : memref<4x2x200xi32, #tpu.memory_space<vmem>> -> memref<1x2x200xi32, #tpu.memory_space<vmem>>
        %dma_start3A_945 = tpu.memref_squeeze %dma_start3A_944 : memref<1x2x200xi32, #tpu.memory_space<vmem>> -> memref<2x200xi32, #tpu.memory_space<vmem>>
        %dma_start3A_946 = arith.constant 0 : i32
        %dma_start3A_947 = tpu.memref_slice %arg2[%add3A_940, %dma_start3A_946] : memref<16384x200xi32, #tpu.memory_space<hbm>> -> memref<2x200xi32, #tpu.memory_space<hbm>>
        %dma_start3A_948 = arith.constant 0 : i32
        %dma_start3A_949 = arith.constant 0 : i32
        %dma_start3A_950 = tpu.memref_slice %arg5[%dma_start3A_941, %dma_start3A_948, %dma_start3A_949] : memref<4x2x200xi32, #tpu.memory_space<vmem>> -> memref<1x2x200xi32, #tpu.memory_space<vmem>>
        %dma_start3A_951 = tpu.memref_squeeze %dma_start3A_950 : memref<1x2x200xi32, #tpu.memory_space<vmem>> -> memref<2x200xi32, #tpu.memory_space<vmem>>
        %dma_start3A_952 = arith.constant 0 : i32
        %dma_start3A_953 = tpu.memref_slice %arg2[%add3A_940, %dma_start3A_952] : memref<16384x200xi32, #tpu.memory_space<hbm>> -> memref<2x200xi32, #tpu.memory_space<hbm>>
        tpu.enqueue_dma source(%dma_start3A_953 : memref<2x200xi32, #tpu.memory_space<hbm>>) target(%dma_start3A_951 : memref<2x200xi32, #tpu.memory_space<vmem>>) target_semaphore(%arg18 : memref<!tpu.dma_semaphore, #tpu.memory_space<semaphore_mem>>)
      } else {
      }
    }
    %scan3A_240 = arith.constant 64 : i32
    %dma_wait3A = arith.constant 0 : i32
    %dma_wait3A_241 = arith.constant 0 : i32
    %dma_wait3A_242 = arith.constant 0 : i32
    %dma_wait3A_243 = arith.constant 0 : i32
    %dma_wait3A_244 = tpu.memref_slice %arg6[%dma_wait3A, %dma_wait3A_241, %dma_wait3A_242, %dma_wait3A_243] : memref<4x2x200x64xf32, #tpu.memory_space<vmem>> -> memref<1x2x200x64xf32, #tpu.memory_space<vmem>>
    %dma_wait3A_245 = tpu.memref_squeeze %dma_wait3A_244 : memref<1x2x200x64xf32, #tpu.memory_space<vmem>> -> memref<2x200x64xf32, #tpu.memory_space<vmem>>
    %dma_wait3A_246 = arith.constant 0 : i32
    %dma_wait3A_247 = arith.constant 0 : i32
    %dma_wait3A_248 = arith.constant 0 : i32
    %dma_wait3A_249 = tpu.memref_slice %arg4[%dma_wait3A_246, %dma_wait3A_247, %dma_wait3A_248] : memref<16384x200x64xf32, #tpu.memory_space<hbm>> -> memref<2x200x64xf32, #tpu.memory_space<hbm>>
    %dma_wait3A_250 = arith.constant 0 : i32
    %dma_wait3A_251 = arith.constant 0 : i32
    %dma_wait3A_252 = arith.constant 0 : i32
    %dma_wait3A_253 = tpu.memref_slice %arg6[%dma_wait3A, %dma_wait3A_250, %dma_wait3A_251, %dma_wait3A_252] : memref<4x2x200x64xf32, #tpu.memory_space<vmem>> -> memref<1x2x200x64xf32, #tpu.memory_space<vmem>>
    %dma_wait3A_254 = tpu.memref_squeeze %dma_wait3A_253 : memref<1x2x200x64xf32, #tpu.memory_space<vmem>> -> memref<2x200x64xf32, #tpu.memory_space<vmem>>
    %dma_wait3A_255 = arith.constant 0 : i32
    %dma_wait3A_256 = arith.constant 0 : i32
    %dma_wait3A_257 = arith.constant 0 : i32
    %dma_wait3A_258 = tpu.memref_slice %arg4[%dma_wait3A_255, %dma_wait3A_256, %dma_wait3A_257] : memref<16384x200x64xf32, #tpu.memory_space<hbm>> -> memref<2x200x64xf32, #tpu.memory_space<hbm>>
    tpu.wait_dma2 semaphore(%arg12 : memref<!tpu.dma_semaphore, #tpu.memory_space<semaphore_mem>>) src(%dma_wait3A_258 : memref<2x200x64xf32, #tpu.memory_space<hbm>>) dst(%dma_wait3A_254 : memref<2x200x64xf32, #tpu.memory_space<vmem>>)
    %dma_wait3A_259 = arith.constant 1 : i32
    %dma_wait3A_260 = arith.constant 0 : i32
    %dma_wait3A_261 = arith.constant 0 : i32
    %dma_wait3A_262 = arith.constant 0 : i32
    %dma_wait3A_263 = tpu.memref_slice %arg6[%dma_wait3A_259, %dma_wait3A_260, %dma_wait3A_261, %dma_wait3A_262] : memref<4x2x200x64xf32, #tpu.memory_space<vmem>> -> memref<1x2x200x64xf32, #tpu.memory_space<vmem>>
    %dma_wait3A_264 = tpu.memref_squeeze %dma_wait3A_263 : memref<1x2x200x64xf32, #tpu.memory_space<vmem>> -> memref<2x200x64xf32, #tpu.memory_space<vmem>>
    %dma_wait3A_265 = arith.constant 0 : i32
    %dma_wait3A_266 = arith.constant 0 : i32
    %dma_wait3A_267 = arith.constant 0 : i32
    %dma_wait3A_268 = tpu.memref_slice %arg4[%dma_wait3A_265, %dma_wait3A_266, %dma_wait3A_267] : memref<16384x200x64xf32, #tpu.memory_space<hbm>> -> memref<2x200x64xf32, #tpu.memory_space<hbm>>
    %dma_wait3A_269 = arith.constant 0 : i32
    %dma_wait3A_270 = arith.constant 0 : i32
    %dma_wait3A_271 = arith.constant 0 : i32
    %dma_wait3A_272 = tpu.memref_slice %arg6[%dma_wait3A_259, %dma_wait3A_269, %dma_wait3A_270, %dma_wait3A_271] : memref<4x2x200x64xf32, #tpu.memory_space<vmem>> -> memref<1x2x200x64xf32, #tpu.memory_space<vmem>>
    %dma_wait3A_273 = tpu.memref_squeeze %dma_wait3A_272 : memref<1x2x200x64xf32, #tpu.memory_space<vmem>> -> memref<2x200x64xf32, #tpu.memory_space<vmem>>
    %dma_wait3A_274 = arith.constant 0 : i32
    %dma_wait3A_275 = arith.constant 0 : i32
    %dma_wait3A_276 = arith.constant 0 : i32
    %dma_wait3A_277 = tpu.memref_slice %arg4[%dma_wait3A_274, %dma_wait3A_275, %dma_wait3A_276] : memref<16384x200x64xf32, #tpu.memory_space<hbm>> -> memref<2x200x64xf32, #tpu.memory_space<hbm>>
    tpu.wait_dma2 semaphore(%arg13 : memref<!tpu.dma_semaphore, #tpu.memory_space<semaphore_mem>>) src(%dma_wait3A_277 : memref<2x200x64xf32, #tpu.memory_space<hbm>>) dst(%dma_wait3A_273 : memref<2x200x64xf32, #tpu.memory_space<vmem>>)
    %dma_wait3A_278 = arith.constant 2 : i32
    %dma_wait3A_279 = arith.constant 0 : i32
    %dma_wait3A_280 = arith.constant 0 : i32
    %dma_wait3A_281 = arith.constant 0 : i32
    %dma_wait3A_282 = tpu.memref_slice %arg6[%dma_wait3A_278, %dma_wait3A_279, %dma_wait3A_280, %dma_wait3A_281] : memref<4x2x200x64xf32, #tpu.memory_space<vmem>> -> memref<1x2x200x64xf32, #tpu.memory_space<vmem>>
    %dma_wait3A_283 = tpu.memref_squeeze %dma_wait3A_282 : memref<1x2x200x64xf32, #tpu.memory_space<vmem>> -> memref<2x200x64xf32, #tpu.memory_space<vmem>>
    %dma_wait3A_284 = arith.constant 0 : i32
    %dma_wait3A_285 = arith.constant 0 : i32
    %dma_wait3A_286 = arith.constant 0 : i32
    %dma_wait3A_287 = tpu.memref_slice %arg4[%dma_wait3A_284, %dma_wait3A_285, %dma_wait3A_286] : memref<16384x200x64xf32, #tpu.memory_space<hbm>> -> memref<2x200x64xf32, #tpu.memory_space<hbm>>
    %dma_wait3A_288 = arith.constant 0 : i32
    %dma_wait3A_289 = arith.constant 0 : i32
    %dma_wait3A_290 = arith.constant 0 : i32
    %dma_wait3A_291 = tpu.memref_slice %arg6[%dma_wait3A_278, %dma_wait3A_288, %dma_wait3A_289, %dma_wait3A_290] : memref<4x2x200x64xf32, #tpu.memory_space<vmem>> -> memref<1x2x200x64xf32, #tpu.memory_space<vmem>>
    %dma_wait3A_292 = tpu.memref_squeeze %dma_wait3A_291 : memref<1x2x200x64xf32, #tpu.memory_space<vmem>> -> memref<2x200x64xf32, #tpu.memory_space<vmem>>
    %dma_wait3A_293 = arith.constant 0 : i32
    %dma_wait3A_294 = arith.constant 0 : i32
    %dma_wait3A_295 = arith.constant 0 : i32
    %dma_wait3A_296 = tpu.memref_slice %arg4[%dma_wait3A_293, %dma_wait3A_294, %dma_wait3A_295] : memref<16384x200x64xf32, #tpu.memory_space<hbm>> -> memref<2x200x64xf32, #tpu.memory_space<hbm>>
    tpu.wait_dma2 semaphore(%arg14 : memref<!tpu.dma_semaphore, #tpu.memory_space<semaphore_mem>>) src(%dma_wait3A_296 : memref<2x200x64xf32, #tpu.memory_space<hbm>>) dst(%dma_wait3A_292 : memref<2x200x64xf32, #tpu.memory_space<vmem>>)
    %dma_wait3A_297 = arith.constant 3 : i32
    %dma_wait3A_298 = arith.constant 0 : i32
    %dma_wait3A_299 = arith.constant 0 : i32
    %dma_wait3A_300 = arith.constant 0 : i32
    %dma_wait3A_301 = tpu.memref_slice %arg6[%dma_wait3A_297, %dma_wait3A_298, %dma_wait3A_299, %dma_wait3A_300] : memref<4x2x200x64xf32, #tpu.memory_space<vmem>> -> memref<1x2x200x64xf32, #tpu.memory_space<vmem>>
    %dma_wait3A_302 = tpu.memref_squeeze %dma_wait3A_301 : memref<1x2x200x64xf32, #tpu.memory_space<vmem>> -> memref<2x200x64xf32, #tpu.memory_space<vmem>>
    %dma_wait3A_303 = arith.constant 0 : i32
    %dma_wait3A_304 = arith.constant 0 : i32
    %dma_wait3A_305 = arith.constant 0 : i32
    %dma_wait3A_306 = tpu.memref_slice %arg4[%dma_wait3A_303, %dma_wait3A_304, %dma_wait3A_305] : memref<16384x200x64xf32, #tpu.memory_space<hbm>> -> memref<2x200x64xf32, #tpu.memory_space<hbm>>
    %dma_wait3A_307 = arith.constant 0 : i32
    %dma_wait3A_308 = arith.constant 0 : i32
    %dma_wait3A_309 = arith.constant 0 : i32
    %dma_wait3A_310 = tpu.memref_slice %arg6[%dma_wait3A_297, %dma_wait3A_307, %dma_wait3A_308, %dma_wait3A_309] : memref<4x2x200x64xf32, #tpu.memory_space<vmem>> -> memref<1x2x200x64xf32, #tpu.memory_space<vmem>>
    %dma_wait3A_311 = tpu.memref_squeeze %dma_wait3A_310 : memref<1x2x200x64xf32, #tpu.memory_space<vmem>> -> memref<2x200x64xf32, #tpu.memory_space<vmem>>
    %dma_wait3A_312 = arith.constant 0 : i32
    %dma_wait3A_313 = arith.constant 0 : i32
    %dma_wait3A_314 = arith.constant 0 : i32
    %dma_wait3A_315 = tpu.memref_slice %arg4[%dma_wait3A_312, %dma_wait3A_313, %dma_wait3A_314] : memref<16384x200x64xf32, #tpu.memory_space<hbm>> -> memref<2x200x64xf32, #tpu.memory_space<hbm>>
    tpu.wait_dma2 semaphore(%arg15 : memref<!tpu.dma_semaphore, #tpu.memory_space<semaphore_mem>>) src(%dma_wait3A_315 : memref<2x200x64xf32, #tpu.memory_space<hbm>>) dst(%dma_wait3A_311 : memref<2x200x64xf32, #tpu.memory_space<vmem>>)
    return
  }
}

</mosaic_0001>

<sc_bundles>
// kernel: kernel.3.cloned.1.call-start
scs
__scs_entry_jumppad:
0x0: {  	(pc) =	sbr.rel $0x88, $3  }
0x1: {  	(tag) =	ssettag $0x0;
	lr =	simm.s32 $0x1  }
0x2: {  	[smem:$0x3F9F] =	sst lr;
	_ =	strace $0xD0000000  }
0x3: {  	_ = 	snop  }
0x4: {  	_ = 	snop  }
0x5: {  	_ = 	snop  }
0x6: {  	_ = 	snop  }
0x7: {  	_ = 	snop  }
__scs_overlays_trampoline_lowered:
0x8: {  	[smem:$0x3FAE] =	sst s0  }
0x9: {  	[smem:$0x3FAF] =	sst s1  }
0xa: {  	[smem:$0x3FB0] =	sst s2  }
0xb: {  	[smem:$0x3FB1] =	sst s3  }
0xc: {  	[smem:$0x3FB2] =	sst s4  }
0xd: {  	[smem:$0x3FB3] =	sst s5  }
0xe: {  	[smem:$0x3FB4] =	sst s6  }
0xf: {  	[smem:$0x3FB5] =	sst s7  }
0x10: {  	[smem:$0x3FB6] =	sst s8  }
0x11: {  	[smem:$0x3FB7] =	sst s9;
	s0 =	simm.s32 @!p0 $0x0  }
0x12: {  	s1 =	sld [smem:$0x3F9D];
	s0 =	simm.s32 @p0 $0x1  }
0x13: {  	[smem:$0x3FB8] =	sst s0;
	s0 =	simm.s32 @!p1 $0x0  }
0x14: {  	s2 =	sld [smem:$0x3F9C];
	s0 =	simm.s32 @p1 $0x1  }
0x15: {  	[smem:$0x3FB9] =	sst s0;
	s0 =	simm.s32 @!p2 $0x0  }
0x16: {  	s3 =	sld [smem:$0x3FDB];
	s0 =	simm.s32 @p2 $0x1  }
0x17: {  	s4 =	simm.s32 $0x1BF5;
	[smem:$0x3FBB] =	sst s0  }
0x18: {  	s0 =	sld [smem:$0x3F9E];
	_ =	swait.ge [sflag:s4], $0x0  }
0x19: {  	s7 =	sld [smem:$0x3F9F]  }
0x1a: {  	s8 =	sadd.s32 $0xFFFFE003, lr  }
0x1b: {  	s9 =	sadd.s32 $0xFFFFFEF7, lr;
	s5 =	simm.s32 $0xFFFFFFFF;
	p2 =	slt.u32 s8, $0xFFFFF086  }
0x1c: {  	p1 =	slt.u32 s9, $0xF7A;
	s5 =	simm.s32 @!p2 $0x0  }
0x1d: {  	s5 =	simm.s32 @p1 $0x1;
	p0 =	seq.s32 s7, s2  }
0x1e: {  	s7 =	smul.u32 @!p0 $0xF7A, s2;
	p2 =	seq.s32 @!p0 s5, $0x0  }
0x1f: {  	s9 =	smul.u32 $0xF7A, s1;
	s8 =	simm.s32 @!p0 $0x1BF5;
	p2 =	por !p2, p0  }
0x20: {  	[sflag:s8] =	ssyncset.s32 @!p0 $0xFFFFF086;
	s6 =	sadd.s32 @!p0 s3, s7;
	s7 =	simm.s32 @!p0 $0x108  }
0x21: {  	s3 =	sadd.s32 s3, s9;
	s6 =	sadd.s32 @!p0 $0x88, s6;
	s7 =	simm.s32 @p2 $0x1082  }
0x22: {  	[simem:s7], [sflag:s8] =	dma.local @!p0 [hbm:s6], $0xF7A  }
0x23: {  	s9 =	sor.u32 $0xD0000000, s2;
	s6 =	simm.s32 $0x108;
	_ =	swait.ge @!p0 [sflag:s8], $0x0  }
0x24: {  	s3 =	sadd.s32 $0x88, s3;
	s6 =	simm.s32 @!p1 $0x1082;
	[sflag:s4] =	ssyncset.s32 $0xFFFFF086  }
0x25: {  	[simem:s6], [sflag:s4] =	dma.local [hbm:s3], $0xF7A  }
0x26: {  	[smem:$0x3F9F] =	sst s1;
	(tag) =	ssettag s2;
	_ =	strace s9  }
0x27: {  	s1 =	sld [smem:$0x3FAF]  }
0x28: {  	s2 =	sld [smem:$0x3FB0]  }
0x29: {  	s4 =	sld [smem:$0x3FB2]  }
0x2a: {  	p0 =	seq.s32 s5, $0x0;
	s5 =	sld [smem:$0x3FB3]  }
0x2b: {  	s6 =	sld [smem:$0x3FB4]  }
0x2c: {  	s7 =	sld [smem:$0x3FB5]  }
0x2d: {  	s3 =	simm.s32 $0x108;
	s8 =	sld [smem:$0x3FB6]  }
0x2e: {  	s3 =	simm.s32 @!p0 $0x1082;
	s9 =	sld [smem:$0x3FB7]  }
0x2f: {  	lr =	sadd.s32 s0, s3;
	s0 =	sld [smem:$0x3FAE]  }
0x30: {  	s3 =	sld [smem:$0x3FB1]  }
0x31: {  	[smem:$0x3FBA] =	sst s10  }
0x32: {  	s10 =	sld [smem:$0x3FB8];
	_ =	sdelay $0x3  }
0x33: {  	p0 =	seq.s32 s10, $0x1;
	s10 =	sld [smem:$0x3FBA];
	_ =	sdelay $0x3  }
0x34: {  	[smem:$0x3FBA] =	sst s10  }
0x35: {  	s10 =	sld [smem:$0x3FB9];
	_ =	sdelay $0x3  }
0x36: {  	p1 =	seq.s32 s10, $0x1;
	s10 =	sld [smem:$0x3FBA];
	_ =	sdelay $0x3  }
0x37: {  	[smem:$0x3FBA] =	sst s10  }
0x38: {  	s10 =	sld [smem:$0x3FBB]  }
0x39: {  	_ = 	snop;
	(pc) =	sbr.ind lr, $3  }
0x3a: {  	_ = 	snop  }
0x3b: {  	_ = 	snop  }
0x3c: {  	p2 =	seq.s32 s10, $0x1;
	s10 =	sld [smem:$0x3FBA]  }
0x3d: {  	_ =	shalt  }
0x3e: {  	_ =	shalt  }
0x3f: {  	_ =	shalt  }
0x40: {  	_ =	shalt  }
0x41: {  	_ =	shalt  }
0x42: {  	_ =	shalt  }
0x43: {  	_ =	shalt  }
0x44: {  	_ =	shalt  }
0x45: {  	_ =	shalt  }
0x46: {  	_ =	shalt  }
0x47: {  	_ =	shalt  }
0x48: {  	_ =	shalt  }
0x49: {  	_ =	shalt  }
0x4a: {  	_ =	shalt  }
0x4b: {  	_ =	shalt  }
0x4c: {  	_ =	shalt  }
0x4d: {  	_ =	shalt  }
0x4e: {  	_ =	shalt  }
0x4f: {  	_ =	shalt  }
0x50: {  	_ =	shalt  }
0x51: {  	_ =	shalt  }
0x52: {  	_ =	shalt  }
0x53: {  	_ =	shalt  }
0x54: {  	_ =	shalt  }
0x55: {  	_ =	shalt  }
0x56: {  	_ =	shalt  }
0x57: {  	_ =	shalt  }
0x58: {  	_ =	shalt  }
0x59: {  	_ =	shalt  }
0x5a: {  	_ =	shalt  }
0x5b: {  	_ =	shalt  }
0x5c: {  	_ =	shalt  }
0x5d: {  	_ =	shalt  }
0x5e: {  	_ =	shalt  }
0x5f: {  	_ =	shalt  }
0x60: {  	_ =	shalt  }
0x61: {  	_ =	shalt  }
0x62: {  	_ =	shalt  }
0x63: {  	_ =	shalt  }
0x64: {  	_ =	shalt  }
0x65: {  	_ =	shalt  }
0x66: {  	_ =	shalt  }
0x67: {  	_ =	shalt  }
0x68: {  	_ =	shalt  }
0x69: {  	_ =	shalt  }
0x6a: {  	_ =	shalt  }
0x6b: {  	_ =	shalt  }
0x6c: {  	_ =	shalt  }
0x6d: {  	_ =	shalt  }
0x6e: {  	_ =	shalt  }
0x6f: {  	_ =	shalt  }
0x70: {  	_ =	shalt  }
0x71: {  	_ =	shalt  }
0x72: {  	_ =	shalt  }
0x73: {  	_ =	shalt  }
0x74: {  	_ =	shalt  }
0x75: {  	_ =	shalt  }
0x76: {  	_ =	shalt  }
0x77: {  	_ =	shalt  }
0x78: {  	_ =	shalt  }
0x79: {  	_ =	shalt  }
0x7a: {  	_ =	shalt  }
0x7b: {  	_ =	shalt  }
0x7c: {  	_ =	shalt  }
0x7d: {  	_ =	shalt  }
0x7e: {  	_ =	shalt  }
0x7f: {  	_ =	shalt  }
0x80: {  	_ =	shalt  }
0x81: {  	_ =	shalt  }
0x82: {  	_ =	shalt  }
0x83: {  	_ =	shalt  }
0x84: {  	_ =	shalt  }
0x85: {  	_ =	shalt  }
0x86: {  	_ =	shalt  }
0x87: {  	_ =	shalt  }
.Lfunc_end0:
.L_simem_size_0:
called_computation.1_lowered:
.L_overlay_start_0:
0x88: {  	s2 =	sld [smem:$0x3FD9]  }
0x89: {  	s3 =	sld [smem:$0x3FFE];
	_ =	sdelay $0x1  }
0x8a: {  	s1 =	srdreg.scid  }
0x8b: {  	s0 =	sand.u32 $0x1, s1  }
0x8c: {  	s17 =	sshll.u32 s0, $0xA;
	s2 =	sadd.s32 s3, s2  }
0x8d: {  	s2 =	sadd.s32 s2, s17  }
0x8e: {  	[smem:$0x3FC6] =	sst s2  }
0x8f: {  	_ = 	snop  }
0x90: {  	s2 =	sld [smem:$0x3FD0];
	(tm) =	ssettm $0x1  }
0x91: {  	s18 =	sld [smem:$0x3FFB];
	_ =	sdelay $0x3  }
0x92: {  	_ =	strace s18  }
0x93: {  	s3 =	sld [smem:$0x3FFC];
	_ =	sdelay $0x3  }
0x94: {  	_ =	strace s3  }
0x95: {  	s3 =	sld [smem:$0x3FFD];
	_ =	sdelay $0x3  }
0x96: {  	_ =	strace s3  }
0x97: {  	_ =	strace $0x8FFFFFFF  }
0x98: {  	s19 =	sld [smem:$0x3FDB];
	_ =	sdelay $0x1  }
0x99: {  	s4 =	simm.s32 $_scs_section_size  }
0x9a: {  	s5 =	simm.s32 $_size__tile_overlayer_lowered;
	s6 =	simm.s32 $_tile_overlayer_lowered  }
0x9b: {  	s22 =	simm.s32 $0x1BFF;
	s21 =	sshll.u32 s6, $0x1;
	s3 =	sadd.s32 s4, s19  }
0x9c: {  	s7 =	simm.s32 $0x0;
	s20 =	sshll.u32 s5, $0x1;
	s5 =	sadd.s32 s21, s3  }
0x9d: {  	[timem:s7], [sflag:s22] =	dma.local [hbm:s5], s20  }
0x9e: {  	_ =	swait.ge [sflag:s22], s20  }
0x9f: {  	s4 =	ssub.s32 $0x0, s20;
	[sflag:s22] =	ssyncset.done $0x0  }
0xa0: {  	[sflag:s22] =	ssyncadd.s32 s4;
	_ =	sdelay $0x1  }
0xa1: {  	s23 =	simm.s32 $0x1B8B  }
0xa2: {  	_ =	swait.ge [sflag:s23], $0x1  }
0xa3: {  	[sflag:s23] =	ssyncset.done $0x0  }
0xa4: {  	s25 =	simm.s32 $0x1B8E;
	s24 =	sld [smem:$0x3FFE];
	[sflag:s23] =	ssyncadd.s32 $0xFFFFFFFF  }
0xa5: {  	s26 =	simm.s32 $execute0_lowered;
	[smem:$0x3FD2] =	sst s25  }
0xa6: {  	s5 =	sshll.u32 s26, $0x1;
	_ =	strace $0x80000046;
	[dreg:$0x1] =	wrdreg $0xFFFFFFFF  }
0xa7: {  	s28 =	simm.s32 $_size_execute0_lowered;
	s3 =	sadd.s32 s3, s5;
	[dreg:$0x0] =	wrdreg $0x0  }
0xa8: {  	s5 =	sshll.u32 s28, $0x1;
	[dreg:$0x2] =	wrdreg s3  }
0xa9: {  	[dreg:$0x3] =	wrdreg s5  }
0xaa: {  	[dreg:$0x4] =	wrdreg $0xC0  }
0xab: {  	_ =	task [dreg:s7], $0x5FFFF  }
0xac: {  	[dreg:$0x1] =	wrdreg $0xFFFFFFFF  }
0xad: {  	[dreg:$0x0] =	wrdreg $0x60  }
0xae: {  	[dreg:$0x2] =	wrdreg s24  }
0xaf: {  	[dreg:$0x3] =	wrdreg s2  }
0xb0: {  	[dreg:$0x4] =	wrdreg $0x196400  }
0xb1: {  	[dreg:$0x5] =	wrdreg $0x9  }
0xb2: {  	_ =	task.clear_ibuf [dreg:s7], $0x6FFFF;
	_ =	strace $0x90000046  }
0xb3: {  	s29 =	simm.s32 $0x9;
	_ =	strace $0x80000048  }
0xb4: {  	_ =	swait.ge [sflag:s29], $0x1  }
0xb5: {  	[sflag:s29] =	ssyncadd.s32 $0xFFFFFFFF  }
0xb6: {  	_ =	strace $0x90000048  }
0xb7: {  	_ =	sfence  }
0xb8: {  	s30 =	sld [smem:$0x0];
	_ =	sdelay $0x2  }
0xb9: {  	s31 =	sshll.u32 s1, $0xD;
	s1 =	sshrl.u32 s1, $0x2  }
0xba: {  	s3 =	sand.u32 $0x4000, s31;
	s1 =	sadd.s32 s1, s30  }
0xbb: {  	s0 =	sor.u32 s3, s0;
	s1 =	sshll.u32 s1, $0x11  }
0xbc: {  	s0 =	sor.u32 s1, s0  }
0xbd: {  	s0 =	sadd.s32 $0x8F2B, s0  }
0xbe: {  	[sflag:s0] =	ssyncadd.remote.s32 $0x1  }
0xbf: {  	_ =	sfence.sel $0xFFFF  }
0xc0: {  	[dreg:$0x0] =	wrdreg $0xFFFFFFFF;
	(pc) =	sbr.abs _section_cstart, $3  }
0xc1: {  	[dreg:$0x1] =	wrdreg $0xFFFFFFFF  }
0xc2: {  	_ =	task.clear_ibuf [dreg:s7], $0x2FFFF;
	_ =	strace $0x9FFFFFFF  }
0xc3: {  	(tm) =	ssettm $0x7FFFFFFF  }
tec
execute0_lowered:
.L_overlay_start_1:
0x0: {  	(tag) =	ssettag $0x1  }
0x1: {  	s0 =	rddreg [dreg:$0x0]  }
0x2: {  	s3 =	rddreg [dreg:$0x1]  }
0x3: {  	s1 =	rddreg [dreg:$0x2];
	s2 =	srdreg.scid  }
0x4: {  	s4 =	stileid.u32;
	s13 =	simm.s32 $0x320;
	s14 =	simm.s32 $0x80  }
0x5: {  	s16 =	simm.s32 $0x48;
	s30 =	simm.s32 $0x1;
	s31 =	simm.s32 $0xCE40  }
0x6: {  	s11 =	simm.s32 $0x16440;
	s12 =	simm.s32 $0x5F8;
	s15 =	simm.s32 $0x18440  }
0x7: {  	s17 =	simm.s32 $0x0;
	s5 =	sand.u32 $0x1, s2;
	s2 =	simm.s32 $0x0  }
0x8: {  	s6 =	sshll.u32 s4, $0xA;
	s21 =	sadd.s32 $0x2800, s0;
	s8 =	smul.u32 $0x190000, s4  }
0x9: {  	s0 =	sadd.s32 $0x800, s0;
	s23 =	smul.u32 $0x6400, s4;
	p0 =	sne.s32 s4, $0x0  }
0xa: {  	s7 =	sshll.u32 s5, $0x9;
	[smem:$0x7FF] =	sst s2;
	s25 =	smul.u32 $0x3200, s5  }
0xb: {  	s22 =	ssub.s32 $0x2, s5;
	s5 =	smul.u32 $0xC8000, s5;
	s6 =	sor.u32 s7, s6  }
0xc: {  	_ =	strace $0x80000047;
	[dreg:$0x4] =	wrdreg s0;
	s9 =	sshrl.u32 s22, $0x1  }
0xd: {  	s26 =	sadd.s32 s8, s3;
	s3 =	simm.s32 $0x4B0;
	s7 =	simm.s32 $0x13240  }
0xe: {  	s6 =	smul.u32 $0x19, s6;
	s0 =	ssub.s32 s22, s9;
	s8 =	sadd.s32 s5, s26  }
0xf: {  	s22 =	simm.s32 $0x6A40;
	s5 =	simm.s32 $0x2;
	s9 =	simm.s32 $0x578  }
0x10: {  	s26 =	simm.s32 $0xA;
	s0 =	smax.u32 s0, $0x1;
	s10 =	sadd.s32 s21, s6  }
0x11: {  	s6 =	sadd.s32 s23, s21;
	[dreg:$0x8] =	wrdreg s0;
	s0 =	sshrl.u32 @!p0 s1, $0x3  }
.Ltmp0:
0x12: {  	s23 =	simm.s32 $0x3;
	[dreg:$0x5] =	wrdreg s10;
	(pc) =	sbr.rel .LBB2_1-.Ltmp0, $4  }
0x13: {  	s24 =	sadd.s32 $0x32, s10;
	s10 =	sadd.s32 $0x64, s10;
	[dreg:$0xa] =	wrdreg s0  }
0x14: {  	s28 =	sadd.s32 s25, s6;
	s6 =	simm.s32 $0xC;
	[dreg:$0x6] =	wrdreg s24  }
0x15: {  	s25 =	simm.s32 $0x6;
	[dreg:$0x7] =	wrdreg s10;
	s29 =	sadd.s32 $0x96, s28  }
0x16: {  	s10 =	simm.s32 $0x15240;
	s24 =	simm.s32 $0x4;
	[dreg:$0x9] =	wrdreg s29  }
.LBB2_4:
0x17: {  	s0 =	simm.s32 $0x5  }
0x18: {  	_ =	swait.ge [sflag:s0], $0x6400  }
0x19: {  	[sflag:s0] =	ssyncset.done $0x0  }
0x1a: {  	[sflag:s0] =	ssyncadd.s32 $0xFFFF9C00  }
0x1b: {  	_ =	swait.ge [sflag:s25], $0x6400  }
0x1c: {  	[sflag:s25] =	ssyncset.done $0x0  }
0x1d: {  	s28 =	simm.s32 $0x7;
	[sflag:s25] =	ssyncadd.s32 $0xFFFF9C00  }
0x1e: {  	_ =	swait.ge [sflag:s28], $0x6400  }
0x1f: {  	[sflag:s28] =	ssyncset.done $0x0  }
0x20: {  	s4 =	simm.s32 $0x8;
	[sflag:s28] =	ssyncadd.s32 $0xFFFF9C00  }
0x21: {  	_ =	swait.ge [sflag:s4], $0x6400  }
0x22: {  	s17 =	rddreg [dreg:$0xb]  }
0x23: {  	s29 =	rddreg [dreg:$0x8];
	s17 =	sadd.s32 $0x1, s17  }
0x24: {  	p1 =	sne.s32 s17, s29  }
.Ltmp1:
0x25: {  	_ = 	snop;
	(pc) =	sbr.rel @!p1 .LBB2_5-.Ltmp1, $3  }
0x26: {  	_ =	sdelay $0x1  }
0x27: {  	[sflag:s4] =	ssyncset.done $0x0  }
0x28: {  	[sflag:s4] =	ssyncadd.s32 $0xFFFF9C00  }
.LBB2_1:
0x29: {  	[dreg:$0xb] =	wrdreg s17  }
0x2a: {  	s17 =	rddreg [dreg:$0x4]  }
0x2b: {  	s0 =	simm.s32 @!p0 $0x1C0D;
	s18 =	rddreg [dreg:$0xa]  }
0x2c: {  	[spmem:s18], [sflag:s0] =	dma.local @!p0 [hbm:s17], $0x1F40  }
0x2d: {  	s0 =	simm.s32 @!p0 $0xD  }
0x2e: {  	_ =	swait.ge @!p0 [sflag:s0], $0x1F40  }
0x2f: {  	[sflag:s0] =	ssyncset.done @!p0 $0x0  }
0x30: {  	[sflag:s0] =	ssyncadd.s32 @!p0 $0xFFFFE0C0  }
0x31: {  	[bflag:$0x0] =	sbarrier.arrive $0xFFFF  }
0x32: {  	s20 =	simm.s32 $0xD;
	s19 =	rddreg [dreg:$0x5]  }
0x33: {  	[tilespmem:s2], [sflag:$0xD] =	stream.linear.gather [hbm4b:s19+s2], $0x190, $0x38;
	[tilespmem:$0x1A5E0] =	vst v63  }
0x34: {  	_ =	swait.ge [sflag:s20], $0x190  }
0x35: {  	[sflag:s20] =	ssyncset.done $0x0  }
0x36: {  	s18 =	simm.s32 $0x190;
	s21 =	rddreg [dreg:$0x6];
	[sflag:s20] =	ssyncadd.s32 $0xFFFFFE70  }
0x37: {  	[tilespmem:s18], [sflag:$0xD] =	stream.linear.gather [hbm4b:s21+s2], $0x190, $0x38;
	[tilespmem:$0x1A5E0] =	vst v63  }
0x38: {  	_ =	swait.ge [sflag:s20], $0x190  }
0x39: {  	[sflag:s20] =	ssyncset.done $0x0  }
0x3a: {  	s4 =	rddreg [dreg:$0x7];
	[sflag:s20] =	ssyncadd.s32 $0xFFFFFE70  }
0x3b: {  	[tilespmem:s13], [sflag:$0xD] =	stream.linear.gather [hbm4b:s4+s2], $0x190, $0x38;
	[tilespmem:$0x1A5E0] =	vst v63  }
0x3c: {  	_ =	swait.ge [sflag:s20], $0x190  }
0x3d: {  	[sflag:s20] =	ssyncset.done $0x0  }
0x3e: {  	s19 =	simm.s32 $0x640;
	[sflag:s20] =	ssyncadd.s32 $0xFFFFFE70  }
0x3f: {  	[tilespmem:s19], [sflag:$0x1] =	stream.indirect.gather [spmem:s1], $0x40, s2, s14, $0xb8;
	[tilespmem:$0x1A5E0] =	vst v63  }
0x40: {  	s20 =	simm.s32 $0x2640  }
0x41: {  	[tilespmem:s20], [sflag:$0x1] =	stream.indirect.gather [spmem:s1], $0x40, s14, s16, $0xb8;
	[tilespmem:$0x1A5E0] =	vst v63  }
0x42: {  	s21 =	simm.s32 $0xC8;
	s4 =	simm.s32 $0x3840  }
0x43: {  	[tilespmem:s4], [sflag:$0x1] =	stream.indirect.gather [spmem:s1], $0x40, s21, s14, $0xb8;
	[tilespmem:$0x1A5E0] =	vst v63  }
0x44: {  	s17 =	simm.s32 $0x148;
	s19 =	simm.s32 $0x5840  }
0x45: {  	[tilespmem:s19], [sflag:$0x1] =	stream.indirect.gather [spmem:s1], $0x40, s17, s16, $0xb8;
	[tilespmem:$0x1A5E0] =	vst v63  }
0x46: {  	_ = 	snop  }
0x47: {  	[tilespmem:s22], [sflag:$0x2] =	stream.indirect.gather [spmem:s1], $0x40, s18, s14, $0xb8;
	[tilespmem:$0x1A5E0] =	vst v63  }
0x48: {  	s29 =	simm.s32 $0x0;
	s20 =	simm.s32 $0x210;
	s21 =	simm.s32 $0x8A40  }
0x49: {  	[tilespmem:s21], [sflag:$0x2] =	stream.indirect.gather [spmem:s1], $0x40, s20, s16, $0xb8;
	[tilespmem:$0x1A5E0] =	vst v63  }
0x4a: {  	s28 =	rddreg [dreg:$0x9];
	s19 =	simm.s32 $0x9C40;
	s18 =	simm.s32 $0x258  }
0x4b: {  	[tilespmem:s19], [sflag:$0x2] =	stream.indirect.gather [spmem:s1], $0x40, s18, s14, $0xb8;
	[tilespmem:$0x1A5E0] =	vst v63  }
0x4c: {  	s4 =	simm.s32 $0x190;
	s20 =	simm.s32 $0x2D8;
	s21 =	simm.s32 $0xBC40  }
0x4d: {  	[tilespmem:s21], [sflag:$0x2] =	stream.indirect.gather [spmem:s1], $0x40, s20, s16, $0xb8;
	[tilespmem:$0x1A5E0] =	vst v63  }
.LBB2_2:
0x4e: {  	_ =	swait.ge [sflag:s30], $0x3200  }
0x4f: {  	[sflag:s30] =	ssyncset.done $0x0  }
0x50: {  	[sflag:s30] =	ssyncadd.s32 $0xFFFFCE00  }
0x51: {  	_ =	swait.ge [sflag:s30], $0x3200  }
0x52: {  	s0 =	sadd.s32 s29, s8;
	[sflag:s30] =	ssyncset.done $0x0  }
0x53: {  	s17 =	simm.s32 $0x640;
	p1 =	seq.s32 s29, $0x0;
	[sflag:s30] =	ssyncadd.s32 $0xFFFFCE00  }
0x54: {  	[hbm4b:s0+s2] =	stream.linear.scatter [tilespmem:s17], [sflag:$0x5], $0x6400, $0x38;
	[tilespmem:$0x1A5E0] =	vst v63  }
0x55: {  	s17 =	simm.s32 @!p1 $0x7  }
0x56: {  	_ =	swait.ge @!p1 [sflag:s17], $0x6400  }
0x57: {  	[sflag:s17] =	ssyncset.done @!p1 $0x0  }
0x58: {  	[sflag:s17] =	ssyncadd.s32 @!p1 $0xFFFF9C00;
	s17 =	simm.s32 @!p1 $0xB  }
0x59: {  	_ =	swait.ge @!p1 [sflag:s17], $0x190  }
0x5a: {  	[sflag:s17] =	ssyncset.done @!p1 $0x0  }
0x5b: {  	[sflag:s17] =	ssyncadd.s32 @!p1 $0xFFFFFE70  }
0x5c: {  	[tilespmem:s31], [sflag:$0x3] =	stream.indirect.gather [spmem:s1], $0x40, s13, s14, $0xb8;
	[tilespmem:$0x1A5E0] =	vst v63  }
0x5d: {  	s21 =	simm.s32 $0x3A0;
	s18 =	simm.s32 $0xEE40  }
0x5e: {  	[tilespmem:s18], [sflag:$0x3] =	stream.indirect.gather [spmem:s1], $0x40, s21, s16, $0xb8;
	[tilespmem:$0x1A5E0] =	vst v63  }
0x5f: {  	s19 =	simm.s32 $0x10040;
	s18 =	simm.s32 $0x3E8  }
0x60: {  	[tilespmem:s19], [sflag:$0x3] =	stream.indirect.gather [spmem:s1], $0x40, s18, s14, $0xb8;
	[tilespmem:$0x1A5E0] =	vst v63  }
0x61: {  	s20 =	simm.s32 $0x468;
	s21 =	simm.s32 $0x12040  }
0x62: {  	[tilespmem:s21], [sflag:$0x3] =	stream.indirect.gather [spmem:s1], $0x40, s20, s16, $0xb8;
	[tilespmem:$0x1A5E0] =	vst v63  }
0x63: {  	_ = 	snop  }
0x64: {  	[tilespmem:s3], [sflag:$0xC] =	stream.linear.gather [hbm4b:s28+s2], $0x190, $0x38;
	[tilespmem:$0x1A5E0] =	vst v63  }
0x65: {  	_ =	swait.ge [sflag:s5], $0x3200  }
0x66: {  	[sflag:s5] =	ssyncset.done $0x0  }
0x67: {  	[sflag:s5] =	ssyncadd.s32 $0xFFFFCE00  }
0x68: {  	_ =	swait.ge [sflag:s5], $0x3200  }
0x69: {  	[sflag:s5] =	ssyncset.done $0x0  }
0x6a: {  	s17 =	simm.s32 @!p1 $0x8;
	s19 =	sadd.s32 $0xC80, s0;
	[sflag:s5] =	ssyncadd.s32 $0xFFFFCE00  }
0x6b: {  	[hbm4b:s19+s2] =	stream.linear.scatter [tilespmem:s22], [sflag:$0x6], $0x6400, $0x38;
	[tilespmem:$0x1A5E0] =	vst v63  }
0x6c: {  	_ =	swait.ge @!p1 [sflag:s17], $0x6400  }
0x6d: {  	[sflag:s17] =	ssyncset.done @!p1 $0x0  }
0x6e: {  	[sflag:s17] =	ssyncadd.s32 @!p1 $0xFFFF9C00  }
0x6f: {  	_ =	swait.ge [sflag:s6], $0x190  }
0x70: {  	[sflag:s6] =	ssyncset.done $0x0  }
0x71: {  	[sflag:s6] =	ssyncadd.s32 $0xFFFFFE70  }
0x72: {  	[tilespmem:s7], [sflag:$0x4] =	stream.indirect.gather [spmem:s1], $0x40, s3, s14, $0xb8;
	[tilespmem:$0x1A5E0] =	vst v63  }
0x73: {  	s20 =	simm.s32 $0x530  }
0x74: {  	[tilespmem:s10], [sflag:$0x4] =	stream.indirect.gather [spmem:s1], $0x40, s20, s16, $0xb8;
	[tilespmem:$0x1A5E0] =	vst v63  }
0x75: {  	_ = 	snop  }
0x76: {  	[tilespmem:s11], [sflag:$0x4] =	stream.indirect.gather [spmem:s1], $0x40, s9, s14, $0xb8;
	[tilespmem:$0x1A5E0] =	vst v63  }
0x77: {  	p1 =	seq.s32 s29, $0xC4E00  }
0x78: {  	[tilespmem:s15], [sflag:$0x4] =	stream.indirect.gather [spmem:s1], $0x40, s12, s16, $0xb8;
	[tilespmem:$0x1A5E0] =	vst v63  }
0x79: {  	s17 =	sadd.s32 @!p1 $0x32, s28;
	s18 =	simm.s32 @!p1 $0x0  }
0x7a: {  	[tilespmem:s18], [sflag:$0x9] =	stream.linear.gather @!p1 [hbm4b:s17+s18], $0x190, $0x38;
	[tilespmem:$0x1A5E0] =	vst v63  }
0x7b: {  	_ =	swait.ge [sflag:s23], $0x3200  }
0x7c: {  	[sflag:s23] =	ssyncset.done $0x0  }
0x7d: {  	[sflag:s23] =	ssyncadd.s32 $0xFFFFCE00  }
0x7e: {  	_ =	swait.ge [sflag:s23], $0x3200  }
0x7f: {  	[sflag:s23] =	ssyncset.done $0x0  }
0x80: {  	s21 =	sadd.s32 $0x1900, s0;
	s17 =	simm.s32 @!p1 $0x5;
	[sflag:s23] =	ssyncadd.s32 $0xFFFFCE00  }
0x81: {  	[hbm4b:s21+s2] =	stream.linear.scatter [tilespmem:s31], [sflag:$0x7], $0x6400, $0x38;
	[tilespmem:$0x1A5E0] =	vst v63  }
0x82: {  	_ =	swait.ge @!p1 [sflag:s17], $0x6400  }
0x83: {  	[sflag:s17] =	ssyncset.done @!p1 $0x0  }
0x84: {  	[sflag:s17] =	ssyncadd.s32 @!p1 $0xFFFF9C00;
	s17 =	simm.s32 @!p1 $0x9  }
0x85: {  	_ =	swait.ge @!p1 [sflag:s17], $0x190  }
0x86: {  	[sflag:s17] =	ssyncset.done @!p1 $0x0  }
0x87: {  	s19 =	simm.s32 @!p1 $0x640;
	[sflag:s17] =	ssyncadd.s32 @!p1 $0xFFFFFE70;
	s17 =	simm.s32 @!p1 $0x80  }
0x88: {  	[tilespmem:s19], [sflag:$0x1] =	stream.indirect.gather @!p1 [spmem:s1], $0x40, s18, s17, $0xb8;
	[tilespmem:$0x1A5E0] =	vst v63  }
0x89: {  	s20 =	simm.s32 @!p1 $0x2640;
	s19 =	simm.s32 @!p1 $0x48  }
0x8a: {  	[tilespmem:s20], [sflag:$0x1] =	stream.indirect.gather @!p1 [spmem:s1], $0x40, s17, s19, $0xb8;
	[tilespmem:$0x1A5E0] =	vst v63  }
0x8b: {  	s21 =	simm.s32 @!p1 $0x3840;
	s20 =	simm.s32 @!p1 $0xC8  }
0x8c: {  	[tilespmem:s21], [sflag:$0x1] =	stream.indirect.gather @!p1 [spmem:s1], $0x40, s20, s17, $0xb8;
	[tilespmem:$0x1A5E0] =	vst v63  }
0x8d: {  	s17 =	simm.s32 @!p1 $0x148;
	s20 =	simm.s32 @!p1 $0x5840  }
0x8e: {  	[tilespmem:s20], [sflag:$0x1] =	stream.indirect.gather @!p1 [spmem:s1], $0x40, s17, s19, $0xb8;
	[tilespmem:$0x1A5E0] =	vst v63  }
0x8f: {  	s17 =	sadd.s32 @!p1 $0x64, s28;
	s19 =	simm.s32 @!p1 $0x190  }
0x90: {  	[tilespmem:s19], [sflag:$0xA] =	stream.linear.gather @!p1 [hbm4b:s17+s18], $0x190, $0x38;
	[tilespmem:$0x1A5E0] =	vst v63  }
0x91: {  	_ =	swait.ge [sflag:s24], $0x3200  }
0x92: {  	[sflag:s24] =	ssyncset.done $0x0  }
.Ltmp2:
0x93: {  	[sflag:s24] =	ssyncadd.s32 $0xFFFFCE00;
	(pc) =	sbr.rel @p1 .LBB2_4-.Ltmp2, $4  }
0x94: {  	_ =	swait.ge [sflag:s24], $0x3200  }
0x95: {  	[sflag:s24] =	ssyncset.done $0x0  }
0x96: {  	s0 =	sadd.s32 $0x2580, s0;
	[sflag:s24] =	ssyncadd.s32 $0xFFFFCE00  }
0x97: {  	[hbm4b:s0+s2] =	stream.linear.scatter [tilespmem:s7], [sflag:$0x8], $0x6400, $0x38;
	[tilespmem:$0x1A5E0] =	vst v63  }
0x98: {  	_ =	swait.ge [sflag:s25], $0x6400  }
0x99: {  	[sflag:s25] =	ssyncset.done $0x0  }
0x9a: {  	[sflag:s25] =	ssyncadd.s32 $0xFFFF9C00  }
0x9b: {  	_ =	swait.ge [sflag:s26], $0x190  }
0x9c: {  	[sflag:s26] =	ssyncset.done $0x0  }
0x9d: {  	[sflag:s26] =	ssyncadd.s32 $0xFFFFFE70  }
0x9e: {  	[tilespmem:s22], [sflag:$0x2] =	stream.indirect.gather [spmem:s1], $0x40, s4, s14, $0xb8;
	[tilespmem:$0x1A5E0] =	vst v63  }
0x9f: {  	s0 =	simm.s32 $0x210;
	s17 =	simm.s32 $0x8A40  }
0xa0: {  	[tilespmem:s17], [sflag:$0x2] =	stream.indirect.gather [spmem:s1], $0x40, s0, s16, $0xb8;
	[tilespmem:$0x1A5E0] =	vst v63  }
0xa1: {  	s18 =	simm.s32 $0x9C40;
	s17 =	simm.s32 $0x258  }
0xa2: {  	[tilespmem:s18], [sflag:$0x2] =	stream.indirect.gather [spmem:s1], $0x40, s17, s14, $0xb8;
	[tilespmem:$0x1A5E0] =	vst v63  }
.Ltmp3:
0xa3: {  	_ = 	snop;
	(pc) =	sbr.rel .LBB2_2-.Ltmp3, $4  }
0xa4: {  	s19 =	simm.s32 $0x2D8;
	s20 =	simm.s32 $0xBC40  }
0xa5: {  	[tilespmem:s20], [sflag:$0x2] =	stream.indirect.gather [spmem:s1], $0x40, s19, s16, $0xb8;
	[tilespmem:$0x1A5E0] =	vst v63  }
0xa6: {  	s21 =	sadd.s32 $0x96, s28;
	s29 =	sadd.s32 $0x3200, s29;
	s28 =	sadd.s32 $0xC8, s28  }
0xa7: {  	[tilespmem:s13], [sflag:$0xB] =	stream.linear.gather [hbm4b:s21+s2], $0x190, $0x38;
	[tilespmem:$0x1A5E0] =	vst v63  }
.LBB2_5:
0xa8: {  	_ =	sfence.sel $0x180000  }
0xa9: {  	[bflag:$0x0] =	sbarrier.arrive $0xFFFF  }
0xaa: {  	_ =	strace $0x90000047  }
0xab: {  	[bflag:$0x2] =	sbarrier.arrive $0xFFFF  }
0xac: {  	s0 =	rddreg [dreg:$0x3]  }
0xad: {  	s0 =	sadd.s32 @!p0 $0x100000, s0  }
0xae: {  	[sflag:s0] =	ssyncadd.tile.s32 @!p0 $0x1;
	_ =	shalt  }
.Lfunc_end2:
_tile_overlayer_lowered:
.L_overlay_start_2:
0xaf: {  	(tag) =	ssettag $0x2  }
0xb0: {  	s0 =	rddreg [dreg:$0x0];
	s2 =	stileid.u32  }
0xb1: {  	s1 =	rddreg [dreg:$0x1];
	p0 =	sne.s32 s2, $0x0  }
0xb2: {  	s3 =	rddreg [dreg:$0x2];
	[bflag:$0x3] =	sbarrier.arrive $0xFFFF;
	s2 =	simm.s32 @!p0 $0x1C0D  }
0xb3: {  	[timem:s3], [sflag:s2] =	dma.local @!p0 [hbm:s0], s1  }
0xb4: {  	s0 =	simm.s32 @!p0 $0xD  }
0xb5: {  	_ =	swait.ge @!p0 [sflag:s0], s1  }
0xb6: {  	s1 =	ssub.s32 @!p0 $0x0, s1;
	[sflag:s0] =	ssyncset.done @!p0 $0x0  }
0xb7: {  	[sflag:s0] =	ssyncadd.s32 @!p0 s1  }
0xb8: {  	[bflag:$0x3] =	sbarrier.arrive $0xFFFF  }
0xb9: {  	_ =	shalt  }

// kernel: sparse-core-data-format-call.cloned.1.call-start
scs
called_computation_lowered:
.L_overlay_start_0:
0x0: {  	s2 =	sld [smem:$0x3FD9]  }
0x1: {  	s3 =	sld [smem:$0x3FFE];
	_ =	sdelay $0x1  }
0x2: {  	s1 =	srdreg.scid  }
0x3: {  	s0 =	sand.u32 $0x1, s1  }
0x4: {  	s18 =	sshll.u32 s0, $0xA;
	s2 =	sadd.s32 s3, s2  }
0x5: {  	s2 =	sadd.s32 s2, s18  }
0x6: {  	[smem:$0x3FC6] =	sst s2  }
0x7: {  	_ = 	snop  }
0x8: {  	s2 =	sld [smem:$0x3FD0];
	(tm) =	ssettm $0x1  }
0x9: {  	s19 =	sld [smem:$0x3FFB];
	_ =	sdelay $0x3  }
0xa: {  	_ =	strace s19  }
0xb: {  	s3 =	sld [smem:$0x3FFC];
	_ =	sdelay $0x3  }
0xc: {  	_ =	strace s3  }
0xd: {  	s3 =	sld [smem:$0x3FFD];
	_ =	sdelay $0x3  }
0xe: {  	_ =	strace s3  }
0xf: {  	_ =	strace $0x8FFFFFFF  }
0x10: {  	s20 =	sld [smem:$0x3FDB];
	_ =	sdelay $0x1  }
0x11: {  	s4 =	simm.s32 $_scs_section_size  }
0x12: {  	s5 =	simm.s32 $_size__tile_overlayer_lowered;
	s6 =	simm.s32 $_tile_overlayer_lowered  }
0x13: {  	s23 =	simm.s32 $0x1BFF;
	s22 =	sshll.u32 s6, $0x1;
	s3 =	sadd.s32 s4, s20  }
0x14: {  	s7 =	simm.s32 $0x0;
	s21 =	sshll.u32 s5, $0x1;
	s5 =	sadd.s32 s22, s3  }
0x15: {  	[timem:s7], [sflag:s23] =	dma.local [hbm:s5], s21  }
0x16: {  	_ =	swait.ge [sflag:s23], s21  }
0x17: {  	s4 =	ssub.s32 $0x0, s21;
	[sflag:s23] =	ssyncset.done $0x0  }
0x18: {  	[sflag:s23] =	ssyncadd.s32 s4;
	_ =	sdelay $0x1  }
0x19: {  	s24 =	simm.s32 $0x1B8B  }
0x1a: {  	_ =	swait.ge [sflag:s24], $0x1  }
0x1b: {  	[sflag:s24] =	ssyncset.done $0x0  }
0x1c: {  	s26 =	simm.s32 $0x1B8E;
	s25 =	sld [smem:$0x3FFE];
	[sflag:s24] =	ssyncadd.s32 $0xFFFFFFFF  }
0x1d: {  	s27 =	simm.s32 $execute0_lowered;
	[smem:$0x3FD2] =	sst s26  }
0x1e: {  	s5 =	sshll.u32 s27, $0x1;
	_ =	strace $0x80000049;
	[dreg:$0x1] =	wrdreg $0xFFFFFFFF  }
0x1f: {  	s28 =	simm.s32 $_size_execute0_lowered;
	s3 =	sadd.s32 s3, s5;
	[dreg:$0x0] =	wrdreg $0x0  }
0x20: {  	s5 =	sshll.u32 s28, $0x1;
	[dreg:$0x2] =	wrdreg s3  }
0x21: {  	[dreg:$0x3] =	wrdreg s5  }
0x22: {  	[dreg:$0x4] =	wrdreg $0xC0  }
0x23: {  	_ =	task [dreg:s7], $0x5FFFF  }
0x24: {  	[dreg:$0x1] =	wrdreg $0xFFFFFFFF  }
0x25: {  	[dreg:$0x0] =	wrdreg $0x60  }
0x26: {  	[dreg:$0x2] =	wrdreg s25  }
0x27: {  	[dreg:$0x3] =	wrdreg s2  }
0x28: {  	[dreg:$0x4] =	wrdreg $0x9  }
0x29: {  	_ =	task.clear_ibuf [dreg:s7], $0x5FFFF;
	_ =	strace $0x90000049  }
0x2a: {  	s29 =	simm.s32 $0x9;
	_ =	strace $0x8000004B  }
0x2b: {  	_ =	swait.ge [sflag:s29], $0x1  }
0x2c: {  	[sflag:s29] =	ssyncadd.s32 $0xFFFFFFFF  }
0x2d: {  	_ =	strace $0x9000004B  }
0x2e: {  	_ =	sfence  }
0x2f: {  	s30 =	sld [smem:$0x0];
	_ =	sdelay $0x2  }
0x30: {  	s31 =	sshll.u32 s1, $0xD;
	s1 =	sshrl.u32 s1, $0x2  }
0x31: {  	s3 =	sand.u32 $0x4000, s31;
	s1 =	sadd.s32 s1, s30  }
0x32: {  	s0 =	sor.u32 s3, s0;
	s1 =	sshll.u32 s1, $0x11  }
0x33: {  	s0 =	sor.u32 s1, s0  }
0x34: {  	s0 =	sadd.s32 $0x8F2B, s0  }
0x35: {  	[sflag:s0] =	ssyncadd.remote.s32 $0x1  }
0x36: {  	_ =	sfence.sel $0xFFFF  }
0x37: {  	[dreg:$0x0] =	wrdreg $0xFFFFFFFF;
	(pc) =	sbr.abs _section_cstart, $3  }
0x38: {  	[dreg:$0x1] =	wrdreg $0xFFFFFFFF  }
0x39: {  	_ =	task.clear_ibuf [dreg:s7], $0x2FFFF;
	_ =	strace $0x9FFFFFFF  }
0x3a: {  	(tm) =	ssettm $0x7FFFFFFF  }
0x3b: {  	_ =	shalt  }
tec
execute0_lowered:
.L_overlay_start_1:
0x0: {  	(tag) =	ssettag $0x1  }
0x1: {  	s0 =	srdreg.scid  }
0x2: {  	s1 =	sshll.u32 s0, $0x4  }
0x3: {  	s0 =	stileid.u32;
	s1 =	sand.u32 $0x10, s1  }
0x4: {  	s1 =	sor.u32 s0, s1  }
0x5: {  	s6 =	rddreg [dreg:$0x0];
	s4 =	simm.s32 $0x1;
	s2 =	sshll.u32 s1, $0x7  }
0x6: {  	s7 =	simm.s32 $0x2;
	s12 =	simm.s32 $0x0;
	s1 =	ssub.s32 $0x4000, s2  }
0x7: {  	s8 =	simm.s32 $0x20000;
	s13 =	simm.s32 $0x0;
	s3 =	sand.u32 $0xF80, s1  }
0x8: {  	s9 =	simm.s32 $0x0;
	s5 =	sshrl.u32 s1, $0xC;
	p0 =	sne.s32 s3, $0x0  }
.Ltmp0:
0x9: {  	s1 =	rddreg [dreg:$0x2];
	s4 =	simm.s32 @!p0 $0x0;
	(pc) =	sbr.rel .LBB1_1-.Ltmp0, $4  }
0xa: {  	s11 =	simm.s32 $0x0;
	s3 =	rddreg [dreg:$0x1];
	s5 =	sadd.s32 s4, s5  }
0xb: {  	_ =	strace $0x8000004A;
	s4 =	simm.s32 $0x1;
	s5 =	smul.u32 $0xC8, s5  }
0xc: {  	s6 =	sadd.s32 $0x800, s6;
	s10 =	smov.u32 s2;
	[sflag:s4] =	ssyncpa.u1 $0x0  }
0xd: {  	p0 =	por $0x0, $0x0;
	[sflag:s7] =	ssyncpa.u1 $0x0;
	s7 =	sor.u32 $0x1, s5  }
.LBB1_4:
0xe: {  	s16 =	sshll.u32 s13, $0x3;
	s17 =	sand.u32 $0x78, s13  }
0xf: {  	s30 =	sand.u32 $0x1F800, s13;
	s12 =	sshll.u32 s12, $0x11;
	s16 =	sand.u32 $0x3C00, s16  }
0x10: {  	[tilespmem:s15+$0x810 ss:$0x81] =	vst.msk $0xffff, v2;
	s31 =	sand.u32 $0x7, s13;
	s16 =	sor.u32 s17, s16;
	s17 =	sadd.s32 s3, s30  }
0x11: {  	[tilespmem:s15+$0x1020 ss:$0x81] =	vst.msk $0xffff, v0;
	s13 =	sshll.u32 s31, $0x12;
	s12 =	sadd.s32 s12, s17;
	s16 =	sshrl.u32 s16, $0x3  }
0x12: {  	[tilespmem:s15+$0x0 ss:$0x81] =	vst.msk $0xffff, v1;
	s13 =	sor.u32 $0x400, s13;
	s12 =	sadd.s32 s16, s12  }
0x13: {  	[hbm4b:s12+s13] =	stream.strided.scatter [tilespmem:s14], [sflag:$0x2], $0x2000, s8, s13, $0x20;
	[tilespmem:$0x8080] =	vst v63  }
.LBB1_5:
0x14: {  	s14 =	sadd.s32 $0x1, s9  }
0x15: {  	s12 =	sadd.s32 $0x1000, s10;
	s16 =	smov.u32 s10;
	p2 =	sgt.s32 s14, $0xC7  }
0x16: {  	s16 =	smov.u32 @p2 s12  }
0x17: {  	s14 =	simm.s32 @p2 $0x0;
	p2 =	sgt.s32 s16, $0x3FFF  }
0x18: {  	s16 =	smov.u32 @p2 s2;
	p2 =	sne.s32 s11, s7  }
.Ltmp1:
0x19: {  	p1 =	slt.u32 s11, $0x2;
	(pc) =	sbr.rel @!p2 .LBB1_6-.Ltmp1, $4  }
0x1a: {  	s15 =	simm.s32 @!p1 $0x2  }
0x1b: {  	s13 =	smov.u32 s10;
	p0 =	por !p0, !p0;
	_ =	swait.ge @!p1 [sflag:s15], $0x2000  }
0x1c: {  	s12 =	smov.u32 s9;
	[sflag:s15] =	ssyncset.done @!p1 $0x0;
	s9 =	smov.u32 s14  }
0x1d: {  	s11 =	sadd.s32 $0x1, s11;
	[sflag:s15] =	ssyncadd.s32 @!p1 $0xFFFFE000;
	s10 =	smov.u32 s16  }
.LBB1_1:
0x1e: {  	p1 =	sge.u32 s11, s5  }
0x1f: {  	s14 =	sand.u32 @!p1 $0x1FFFFFF, s9  }
0x20: {  	s15 =	smulhi.u32 @!p1 $0x147AE15, s14;
	_ =	sdelay $0x1  }
0x21: {  	s15 =	smul.u32 @!p1 $0xC8, s15  }
0x22: {  	s16 =	sxor.u32 @!p1 $0xFFFFFFFF, s11;
	s17 =	smul.u32 @!p1 $0xC80, s10  }
0x23: {  	s31 =	sadd.s32 $0xFFFFFFFF, s11;
	s16 =	sshll.u32 @!p1 s16, $0xD;
	s14 =	ssub.s32 @!p1 s14, s15  }
0x24: {  	s15 =	sand.u32 @!p1 $0x2000, s16;
	s16 =	sadd.s32 @!p1 s6, s17;
	s14 =	sshll.u32 @!p1 s14, $0x4  }
0x25: {  	s17 =	simm.s32 @!p1 $0x6400;
	s14 =	sadd.s32 @!p1 s14, s16;
	s16 =	simm.s32 @!p1 $0x40  }
0x26: {  	[tilespmem:s15], [sflag:$0x1] =	stream.strided.gather @!p1 [hbm4b:s14+s16], $0x2000, s17, s16, $0x38;
	[tilespmem:$0x8080] =	vst v63  }
0x27: {  	p1 =	sge.u32 s31, s5  }
.Ltmp2:
0x28: {  	_ = 	snop;
	(pc) =	sbr.rel @p1 .LBB1_5-.Ltmp2, $1  }
0x29: {  	_ =	sdelay $0x3  }
0x2a: {  	s14 =	simm.s32 $0x1  }
0x2b: {  	_ =	swait.ge [sflag:s4], $0x2000;
	s14 =	simm.s32 @!p0 $0x0  }
0x2c: {  	[sflag:s4] =	ssyncset.done $0x0;
	s15 =	sshll.u32 s14, $0xD  }
0x2d: {  	[sflag:s4] =	ssyncadd.s32 $0xFFFFE000;
	s18 =	sor.u32 $0x20, s15  }
0x2e: {  	s14 =	smul.u32 $0x8100, s14;
	v3 =	vld [tilespmem:s18+$0x10]  }
0x2f: {  	s30 =	sand.u32 $0x1, s11;
	v2 =	vld [tilespmem:s18+$0xFFFFFFF0]  }
0x30: {  	s15 =	smul.u32 $0x8100, s30;
	s14 =	sshrl.u32 s14, $0x2;
	v0 =	vld [tilespmem:s18+$0x0]  }
0x31: {  	v1 =	vld [tilespmem:s18+$0xFFFFFFE0];
	s16 =	sor.u32 $0x4000, s14  }
0x32: {  	s31 =	sshrl.u32 s15, $0x2;
	s15 =	sadd.s32 $0x0, s16  }
0x33: {  	s17 =	simm.s32 $0x4;
	s18 =	sadd.s32 $0x40, s18;
	s14 =	sor.u32 $0x4000, s31;
	[tilespmem:s15+$0x1830 ss:$0x81] =	vst.msk $0xffff, v3  }
.LBB1_3:
0x34: {  	v3 =	vld [tilespmem:s18+$0x10];
	p1 =	sne.s32 s17, $0x1FC;
	[tilespmem:s15+$0x810 ss:$0x81] =	vst.msk $0xffff, v2;
	s19 =	smov.u32 s17;
	s17 =	sadd.s32 $0x4, s17  }
.Ltmp3:
0x35: {  	v2 =	vld [tilespmem:s18+$0xFFFFFFF0];
	[tilespmem:s15+$0x1020 ss:$0x81] =	vst.msk $0xffff, v0;
	(pc) =	sbr.rel @p1 .LBB1_3-.Ltmp3, $4  }
0x36: {  	v0 =	vld [tilespmem:s18+$0x0];
	[tilespmem:s15+$0x0 ss:$0x81] =	vst.msk $0xffff, v1  }
0x37: {  	s15 =	sshra.s32 s19, $0x2;
	v1 =	vld [tilespmem:s18+$0xFFFFFFE0]  }
0x38: {  	s15 =	sadd.s32 s15, s16  }
0x39: {  	s18 =	sadd.s32 $0x40, s18;
	[tilespmem:s15+$0x1830 ss:$0x81] =	vst.msk $0xffff, v3  }
.Ltmp4:
0x3a: {  	_ = 	snop;
	(pc) =	sbr.rel .LBB1_4-.Ltmp4, $1  }
0x3b: {  	_ =	sdelay $0x3  }
.LBB1_6:
0x3c: {  	_ =	sfence.sel $0x180000  }
0x3d: {  	s2 =	simm.s32 $0x1;
	[bflag:$0x0] =	sbarrier.arrive $0xFFFF  }
0x3e: {  	s31 =	simm.s32 $0x2;
	[sflag:s2] =	ssyncpa.u1 $0x1  }
0x3f: {  	[sflag:s31] =	ssyncpa.u1 $0x1  }
0x40: {  	p0 =	sne.s32 s0, $0x0;
	_ =	strace $0x9000004A  }
0x41: {  	s0 =	sadd.s32 @!p0 $0x100000, s1;
	[bflag:$0x2] =	sbarrier.arrive $0xFFFF  }
0x42: {  	[sflag:s0] =	ssyncadd.tile.s32 @!p0 $0x1;
	_ =	shalt  }
.Lfunc_end1:
_tile_overlayer_lowered:
.L_overlay_start_2:
0x43: {  	(tag) =	ssettag $0x2  }
0x44: {  	s0 =	rddreg [dreg:$0x0];
	s2 =	stileid.u32  }
0x45: {  	s1 =	rddreg [dreg:$0x1];
	p0 =	sne.s32 s2, $0x0  }
0x46: {  	s3 =	rddreg [dreg:$0x2];
	[bflag:$0x3] =	sbarrier.arrive $0xFFFF;
	s2 =	simm.s32 @!p0 $0x1C01  }
0x47: {  	[timem:s3], [sflag:s2] =	dma.local @!p0 [hbm:s0], s1  }
0x48: {  	s0 =	simm.s32 @!p0 $0x1  }
0x49: {  	_ =	swait.ge @!p0 [sflag:s0], s1  }
0x4a: {  	s1 =	ssub.s32 @!p0 $0x0, s1;
	[sflag:s0] =	ssyncset.done @!p0 $0x0  }
0x4b: {  	[sflag:s0] =	ssyncadd.s32 @!p0 s1  }
0x4c: {  	[bflag:$0x3] =	sbarrier.arrive $0xFFFF  }
0x4d: {  	_ =	shalt  }

</sc_bundles>
